<compile_context>
chip_gen: v7x
topology: tpu7x:2x2x1
jax: 0.10.2.dev20260603
libtpu: 0.0.44.dev20260713+nightly
codegen_flags: <defaults>
</compile_context>

<pallas_src>
import functools

import jax
import jax.numpy as jnp
from jax import lax
from jax.experimental import pallas as pl
from jax.experimental.pallas import tpu as pltpu
from jax.experimental.pallas import tpu_sc as plsc

_COL_NUM = 12
_DMODEL = 16
_CAPACITY = 128
_BATCH = 8
_ROWS = 1024
_FEAT = _COL_NUM * _DMODEL
_HID = 32
_L = 16
_NCHUNK = _ROWS // _L


def _score_body(t_ref, w1t_ref, b1_ref, w2_ref, b2_ref, z_ref):
    t = t_ref[0]
    h = jnp.dot(t, w1t_ref[...], preferred_element_type=jnp.float32) + b1_ref[...]
    h = jnp.maximum(h, 0.0)
    s2 = jnp.dot(h, w2_ref[...], preferred_element_type=jnp.float32) + b2_ref[0, 0]
    mn = jnp.min(s2)
    mx = jnp.max(s2)
    z_ref[0] = (s2 - mn) / (mx - mn + 0.1) * 100.0


def _score(t, w1t, b1, w2, b2):
    return pl.pallas_call(
        _score_body,
        grid=(_BATCH,),
        in_specs=[
            pl.BlockSpec((1, _ROWS, _FEAT), lambda i: (i, 0, 0)),
            pl.BlockSpec((_FEAT, _HID), lambda i: (0, 0)),
            pl.BlockSpec((1, _HID), lambda i: (0, 0)),
            pl.BlockSpec((_HID, 1), lambda i: (0, 0)),
            pl.BlockSpec((1, 1), lambda i: (0, 0)),
        ],
        out_specs=pl.BlockSpec((1, _ROWS, 1), lambda i: (i, 0, 0)),
        out_shape=jax.ShapeDtypeStruct((_BATCH, _ROWS, 1), jnp.float32),
    )(t, w1t, b1, w2, b2)


_CCH = 1024
_NJ = _ROWS // _CCH


def _pos_body(zrow_ref, zcol_ref, p_ref):
    j = pl.program_id(1)
    zr = zrow_ref[0]
    zc = zcol_ref[0]
    gt = zr > zc
    ic = lax.broadcasted_iota(jnp.int32, (_CCH, _ROWS), 0) + j * _CCH
    jc = lax.broadcasted_iota(jnp.int32, (_CCH, _ROWS), 1)
    tie = (zr == zc) & (jc < ic)
    m = jnp.where(gt | tie, 1.0, 0.0)
    cnt = jnp.dot(m, jnp.ones((_ROWS, 1), jnp.float32),
                  preferred_element_type=jnp.float32)
    p_ref[0] = cnt.astype(jnp.int32)


def _positions(zrow, zcol):
    return pl.pallas_call(
        _pos_body,
        grid=(_BATCH, _NJ),
        in_specs=[
            pl.BlockSpec((1, 1, _ROWS), lambda i, j: (i, 0, 0)),
            pl.BlockSpec((1, _CCH, 1), lambda i, j: (i, j, 0)),
        ],
        out_specs=pl.BlockSpec((1, _CCH, 1), lambda i, j: (i, j, 0)),
        out_shape=jax.ShapeDtypeStruct((_BATCH, _ROWS, 1), jnp.int32),
    )(zrow, zcol)


def _pav_body(z_hbm, p_hbm, wc_hbm, wp_hbm, va_hbm, vcs_hbm, vws_hbm,
              z_v, p_v, s_v, blkf, blkcs, blkst, bid_v, wc_v, wp_v,
              oa_v, ocs_v, ows_v, sem):
    cid = lax.axis_index("c")
    sid = lax.axis_index("s")
    lane = lax.iota(jnp.int32, _L)
    mask0 = lane == 0

    @pl.when(sid < _BATCH // 2)
    def _():
        row = cid * (_BATCH // 2) + sid
        c1 = pltpu.async_copy(z_hbm.at[row], z_v, sem)
        c2 = pltpu.async_copy(p_hbm.at[row], p_v, sem)
        c3 = pltpu.async_copy(wc_hbm, wc_v, sem)
        c4 = pltpu.async_copy(wp_hbm, wp_v, sem)
        c1.wait(); c2.wait(); c3.wait(); c4.wait()

        def scatter_body(ci, _):
            sl = pl.ds(ci * _L, _L)
            plsc.store_scatter(s_v, [p_v[sl]], z_v[sl])
            blkst[sl] = jnp.zeros((_L,), jnp.int32)
            return 0

        lax.fori_loop(0, _NCHUNK, scatter_body, 0)
        blkst[pl.ds(_ROWS, _L)] = jnp.zeros((_L,), jnp.int32)

        def wsum_cf(a_i32, b_i32):
            a = a_i32.astype(jnp.float32)
            b = b_i32.astype(jnp.float32)
            return (b - a + 1.0) * (2.0 * _ROWS - a - b) * 0.5

        def pav_step(i, state):
            sp, tf, ts, tst, cf0 = state
            ii = jnp.full((_L,), i, jnp.int32)
            cfn = plsc.load_gather(s_v, [ii + 1])
            cs0 = jnp.full((_L,), 1.0, jnp.float32)
            cst0 = ii

            def eval_viol(sp_, tf_, ts_, tst_, cf_, cs_, cst_):
                e = jnp.exp(cf_ - tf_)
                tw = wsum_cf(tst_, cst_ - 1)
                cw = wsum_cf(cst_, ii)
                d = cs_ * e * tw - ts_ * cw
                return (sp_ > 0) & (d[0] > 0.0), e

            def cond(st):
                return st[0]

            def merge(st):
                _, e, sp_, tf_, ts_, tst_, cf_, cs_, cst_ = st
                mf, ms, mst = tf_, ts_ + e * cs_, tst_
                nidx = jnp.full((_L,), jnp.maximum(sp_ - 2, 0), jnp.int32)
                ntf = plsc.load_gather(blkf, [nidx])
                nts = plsc.load_gather(blkcs, [nidx])
                ntst = plsc.load_gather(blkst, [nidx])
                sp2 = sp_ - 1
                v2, e2 = eval_viol(sp2, ntf, nts, ntst, mf, ms, mst)
                return (v2, e2, sp2, ntf, nts, ntst, mf, ms, mst)

            v0, e0 = eval_viol(sp, tf, ts, tst, cf0, cs0, cst0)
            _, _, sp, tf, ts, tst, cf, cs, cst = lax.while_loop(
                cond, merge, (v0, e0, sp, tf, ts, tst, cf0, cs0, cst0))
            mpush = mask0 & jnp.full((_L,), sp > 0, jnp.bool_)
            spv = jnp.full((_L,), jnp.maximum(sp - 1, 0), jnp.int32)
            plsc.store_scatter(blkf, [spv], tf, mask=mpush)
            plsc.store_scatter(blkcs, [spv], ts, mask=mpush)
            plsc.store_scatter(blkst, [spv], tst, mask=mpush)
            return (sp + 1, cf, cs, cst, cfn)

        zero_f = jnp.zeros((_L,), jnp.float32)
        zero_i = jnp.zeros((_L,), jnp.int32)
        cf_first = plsc.load_gather(s_v, [jnp.zeros((_L,), jnp.int32)])
        sp, tf, ts, tst, _ = lax.fori_loop(
            0, _ROWS, pav_step, (0, zero_f, zero_f, zero_i, cf_first))

        spv = jnp.full((_L,), sp - 1, jnp.int32)
        plsc.store_scatter(blkf, [spv], tf, mask=mask0)
        plsc.store_scatter(blkcs, [spv], ts, mask=mask0)
        plsc.store_scatter(blkst, [spv], tst, mask=mask0)
        spv = jnp.full((_L,), sp, jnp.int32)
        plsc.store_scatter(blkst, [spv], jnp.full((_L,), _ROWS, jnp.int32),
                           mask=mask0)

        def zero_body(ci, _):
            bid_v[pl.ds(ci * _L, _L)] = jnp.zeros((_L,), jnp.int32)
            return 0

        lax.fori_loop(0, _NCHUNK, zero_body, 0)

        ones = jnp.full((_L,), 1, jnp.int32)

        def mark_body(ci, _):
            idxs = ci * _L + lane
            st = blkst[pl.ds(ci * _L, _L)]
            plsc.store_scatter(bid_v, [st], ones, mask=idxs < sp)
            return 0

        lax.fori_loop(0, _NCHUNK, mark_body, 0)

        def cumsum_body(ci, carry):
            v = bid_v[pl.ds(ci * _L, _L)]
            cs_ = plsc.cumsum(v)
            bid_v[pl.ds(ci * _L, _L)] = cs_ + carry - 1
            return carry + jnp.full((_L,), jnp.max(cs_), jnp.int32)

        lax.fori_loop(0, _NCHUNK, cumsum_body, jnp.zeros((_L,), jnp.int32))

        def out_body(ci, _):
            sl = pl.ds(ci * _L, _L)
            pp = p_v[sl]
            b = plsc.load_gather(bid_v, [pp])
            st = plsc.load_gather(blkst, [b])
            en1 = plsc.load_gather(blkst, [b + 1])
            oa_v[sl] = plsc.load_gather(blkf, [b])
            ocs_v[sl] = plsc.load_gather(blkcs, [b])
            ows_v[sl] = (plsc.load_gather(wc_v, [en1 - 1])
                         - plsc.load_gather(wp_v, [st]))
            return 0

        lax.fori_loop(0, _NCHUNK, out_body, 0)

        o1 = pltpu.async_copy(oa_v, va_hbm.at[row], sem)
        o2 = pltpu.async_copy(ocs_v, vcs_hbm.at[row], sem)
        o3 = pltpu.async_copy(ows_v, vws_hbm.at[row], sem)
        o1.wait(); o2.wait(); o3.wait()


def _pav(z, p, wc, wprev):
    mesh = plsc.VectorSubcoreMesh(core_axis_name="c", subcore_axis_name="s")
    f = pl.kernel(
        _pav_body,
        compiler_params=pltpu.CompilerParams(needs_layout_passes=False),
        out_type=[
            jax.ShapeDtypeStruct((_BATCH, _ROWS), jnp.float32),
            jax.ShapeDtypeStruct((_BATCH, _ROWS), jnp.float32),
            jax.ShapeDtypeStruct((_BATCH, _ROWS), jnp.float32),
        ],
        mesh=mesh,
        scratch_types=[
            pltpu.VMEM((_ROWS,), jnp.float32),
            pltpu.VMEM((_ROWS,), jnp.int32),
            pltpu.VMEM((_ROWS + _L,), jnp.float32),
            pltpu.VMEM((_ROWS,), jnp.float32),
            pltpu.VMEM((_ROWS,), jnp.float32),
            pltpu.VMEM((_ROWS + _L,), jnp.int32),
            pltpu.VMEM((_ROWS,), jnp.int32),
            pltpu.VMEM((_ROWS,), jnp.float32),
            pltpu.VMEM((_ROWS,), jnp.float32),
            pltpu.VMEM((_ROWS,), jnp.float32),
            pltpu.VMEM((_ROWS,), jnp.float32),
            pltpu.VMEM((_ROWS,), jnp.float32),
            pltpu.SemaphoreType.DMA,
        ],
    )
    return f(z, p, wc, wprev)


def _final_body(z_ref, a_ref, cs_ref, ws_ref, o_ref):
    z = z_ref[...]
    lse_s = a_ref[...] + jnp.log(jnp.maximum(cs_ref[...], 1e-38))
    v = lse_s - jnp.log(jnp.maximum(ws_ref[...], 1e-9))
    r = jnp.exp(z - v)
    other = r % 128.0
    o_ref[...] = (r - other) / _CAPACITY + 1.0


def _final(z, va, vcs, vws):
    return pl.pallas_call(
        _final_body,
        out_shape=jax.ShapeDtypeStruct((_BATCH, _ROWS), jnp.float32),
    )(z, va, vcs, vws)


def kernel(table, W1, b1, W2, b2):
    t = table.reshape(_BATCH, _ROWS, _FEAT)
    w_lin = jnp.arange(_ROWS, 0, -1).astype(jnp.float32)
    wc = jnp.cumsum(w_lin)
    wprev = jnp.concatenate([jnp.zeros((1,), jnp.float32), wc[:-1]])
    zcol = _score(t, W1.T, b1.reshape(1, _HID), W2.T, b2.reshape(1, 1))
    z = zcol.reshape(_BATCH, _ROWS)
    zrow = z.reshape(_BATCH, 1, _ROWS)
    p = _positions(zrow, zcol).reshape(_BATCH, _ROWS)
    va, vcs, vws = _pav(z, p, wc, wprev)
    out = _final(z, va, vcs, vws)
    return out.reshape(_BATCH, _ROWS, 1)

# --- scband reference (transcript-rebuilt; emitter-appended) ---
"""Pipeline reference for scband-ranking-model-v2-25366076850461 (READ-ONLY COPY).

The authoritative reference and input builder live on the scoring server;
editing this copy changes nothing except your own understanding.
"""

import jax, jax.numpy as jnp
import numpy as np

COL_NUM = 12
DMODEL = 16
CAPACITY = 128  # BlockSize
BATCH = 8
ROWS = 1024  # BlockSize * BlockNum


def soft_rank_kl_row(z):
    # Faithful soft_rank(values, regularization='kl', regularization_strength=1.0)
    # (torchsort / fast-soft-sort, ASCENDING). Dual isotonic problem
    #   argmin_{v1>=...>=vn} sum_i e^{s_i - v_i} + e^{w_i} v_i,  w = log([n,...,1])
    # solved via the min-max (Robertson) formula with generalized block means
    #   B(a,b) = LSE(s[a..b]) - log(sum w_lin[a..b]),  v_i = min_{a<=i} max_{b>=i} B(a,b).
    n = z.shape[0]
    perm = jnp.argsort(-z)          # sort descending
    s = z[perm]
    w_lin = jnp.arange(n, 0, -1).astype(z.dtype)  # [n, n-1, ..., 1]
    mask = jnp.triu(jnp.ones((n, n), dtype=bool))
    diff = s[None, :] - s[:, None]  # s_j - s_a  (<=0 for j>=a since s desc)
    expd = jnp.where(mask, jnp.exp(jnp.where(mask, diff, 0.0)), 0.0)
    cs = jnp.cumsum(expd, axis=1)   # cs[a,b] = sum_{j=a..b} e^{s_j - s_a}
    lse_s = s[:, None] + jnp.log(jnp.maximum(cs, 1e-38))
    wc = jnp.cumsum(w_lin)
    wprev = jnp.concatenate([jnp.zeros((1,), z.dtype), wc[:-1]])
    wsum = wc[None, :] - wprev[:, None]  # sum_{j=a..b} w_lin_j
    lse_w = jnp.log(jnp.maximum(wsum, 1e-9))
    big_neg = jnp.asarray(-1e30, z.dtype)
    B = jnp.where(mask, lse_s - lse_w, big_neg)
    Mx = jax.lax.cummax(B, axis=1, reverse=True)  # Mx[a,i] = max_{b>=i} B(a,b)
    C = jax.lax.cummin(Mx, axis=0)                # C[a,i] = min_{a'<=a} Mx[a',i]
    v = jnp.diagonal(C)                           # v_i = min_{a<=i} max_{b>=i} B(a,b)
    primal = s - v
    inv = jnp.argsort(perm)
    return jnp.exp(primal[inv])


def mlp(x, W1, b1, W2, b2):
    h = jnp.maximum(jnp.dot(x, W1.T) + b1, 0.0)
    return jnp.dot(h, W2.T) + b2


def forward(table, W1, b1, W2, b2):
    rows = table.shape[1]
    t = table.reshape(-1, rows, COL_NUM * DMODEL)
    scores = mlp(t, W1, b1, W2, b2).reshape(-1, rows)
    mn = jnp.min(scores, axis=1, keepdims=True)
    mx = jnp.max(scores, axis=1, keepdims=True)
    scaled = (scores - mn) / (mx - mn + 0.1) * 100.0
    ranks = jax.vmap(soft_rank_kl_row)(scaled)
    other = jax.lax.stop_gradient(ranks) % CAPACITY  # ranks.detach() % capacity
    ranks = (ranks - other) / CAPACITY
    ranks = ranks + 1.0
    return ranks.reshape(-1, rows, 1)


def setup_inputs(seed: int = 0) -> dict:
    key = jax.random.key(seed)
    k1, k2, k3 = jax.random.split(key, 3)
    table = jax.random.normal(k1, (BATCH, ROWS, COL_NUM, DMODEL), dtype=jnp.float32)
    W1 = 0.02 * jax.random.normal(k2, (32, COL_NUM * DMODEL), dtype=jnp.float32)
    b1 = jnp.zeros((32,), jnp.float32)
    W2 = 0.02 * jax.random.normal(k3, (1, 32), dtype=jnp.float32)
    b2 = jnp.zeros((1,), jnp.float32)
    return {"table": table, "W1": W1, "b1": b1, "W2": W2, "b2": b2}


def reference(table, W1, b1, W2, b2):
    return forward(table, W1, b1, W2, b2)

if __name__ == "__main__":
    import jax
    _d = setup_inputs()
    print(jax.jit(kernel)(*tuple(_d.values())))

</pallas_src>

<mosaic_0001>
#map = affine_map<(d0, d1) -> (0, 0)>
#map1 = affine_map<(d0, d1) -> (0)>
module attributes {stable_mosaic.version = 14 : i64} {
  func.func @_pav_body(%arg0: i32, %arg1: i32, %arg2: memref<8x1024xf32, #tpu.memory_space<hbm>>, %arg3: memref<8x1024xi32, #tpu.memory_space<hbm>>, %arg4: memref<1024xf32, #tpu.memory_space<hbm>>, %arg5: memref<1024xf32, #tpu.memory_space<hbm>>, %arg6: memref<8x1024xf32, #tpu.memory_space<hbm>>, %arg7: memref<8x1024xf32, #tpu.memory_space<hbm>>, %arg8: memref<8x1024xf32, #tpu.memory_space<hbm>>, %arg9: memref<1024xf32, #tpu.memory_space<vmem>>, %arg10: memref<1024xi32, #tpu.memory_space<vmem>>, %arg11: memref<1040xf32, #tpu.memory_space<vmem>>, %arg12: memref<1024xf32, #tpu.memory_space<vmem>>, %arg13: memref<1024xf32, #tpu.memory_space<vmem>>, %arg14: memref<1040xi32, #tpu.memory_space<vmem>>, %arg15: memref<1024xi32, #tpu.memory_space<vmem>>, %arg16: memref<1024xf32, #tpu.memory_space<vmem>>, %arg17: memref<1024xf32, #tpu.memory_space<vmem>>, %arg18: memref<1024xf32, #tpu.memory_space<vmem>>, %arg19: memref<1024xf32, #tpu.memory_space<vmem>>, %arg20: memref<1024xf32, #tpu.memory_space<vmem>>, %arg21: memref<!tpu.dma_semaphore, #tpu.memory_space<semaphore_mem>>) attributes {dimension_semantics = [#tpu.dimension_semantics<core_parallel>, #tpu.dimension_semantics<subcore_parallel>], iteration_bounds = array<i64: 2, 16>, scalar_prefetch = 0 : i64, scratch_operands = 13 : i64, tpu.core_type = #tpu.core_type<sc_vector_subcore>, window_params = [{transform_indices = #map}, {transform_indices = #map}, {transform_indices = #map1}, {transform_indices = #map1}, {transform_indices = #map}, {transform_indices = #map}, {transform_indices = #map}]} {
    %iota3A = tpu.iota {dimensions = array<i32: 0>} : vector<16xi32>
    %eq3A = arith.constant 0 : i32
    %eq3A_0 = vector.broadcast %eq3A : i32 to vector<16xi32>
    %eq3A_1 = arith.cmpi eq, %iota3A, %eq3A_0 : vector<16xi32>
    %lt3A = arith.constant 4 : i32
    %lt3A_2 = arith.cmpi slt, %arg1, %lt3A : i32
    %convert_element_type3A = arith.extui %lt3A_2 : i1 to i32
    %cond3A = arith.constant 0 : i32
    %cond3A_3 = arith.cmpi ne, %convert_element_type3A, %cond3A : i32
    scf.if %cond3A_3 {
      %mul3A = arith.constant 4 : i32
      %mul3A_4 = arith.muli %arg0, %mul3A : i32
      %add3A = arith.addi %mul3A_4, %arg1 : i32
      %dma_start3A = arith.constant 0 : i32
      %dma_start3A_5 = tpu.memref_slice %arg2[%add3A, %dma_start3A] : memref<8x1024xf32, #tpu.memory_space<hbm>> -> memref<1x1024xf32, #tpu.memory_space<hbm>>
      %dma_start3A_6 = tpu.memref_squeeze %dma_start3A_5 : memref<1x1024xf32, #tpu.memory_space<hbm>> -> memref<1024xf32, #tpu.memory_space<hbm>>
      %dma_start3A_7 = arith.constant 0 : i32
      %dma_start3A_8 = tpu.memref_slice %arg2[%add3A, %dma_start3A_7] : memref<8x1024xf32, #tpu.memory_space<hbm>> -> memref<1x1024xf32, #tpu.memory_space<hbm>>
      %dma_start3A_9 = tpu.memref_squeeze %dma_start3A_8 : memref<1x1024xf32, #tpu.memory_space<hbm>> -> memref<1024xf32, #tpu.memory_space<hbm>>
      tpu.enqueue_dma source(%dma_start3A_9 : memref<1024xf32, #tpu.memory_space<hbm>>) target(%arg9 : memref<1024xf32, #tpu.memory_space<vmem>>) target_semaphore(%arg21 : memref<!tpu.dma_semaphore, #tpu.memory_space<semaphore_mem>>)
      %dma_start3A_10 = arith.constant 0 : i32
      %dma_start3A_11 = tpu.memref_slice %arg3[%add3A, %dma_start3A_10] : memref<8x1024xi32, #tpu.memory_space<hbm>> -> memref<1x1024xi32, #tpu.memory_space<hbm>>
      %dma_start3A_12 = tpu.memref_squeeze %dma_start3A_11 : memref<1x1024xi32, #tpu.memory_space<hbm>> -> memref<1024xi32, #tpu.memory_space<hbm>>
      %dma_start3A_13 = arith.constant 0 : i32
      %dma_start3A_14 = tpu.memref_slice %arg3[%add3A, %dma_start3A_13] : memref<8x1024xi32, #tpu.memory_space<hbm>> -> memref<1x1024xi32, #tpu.memory_space<hbm>>
      %dma_start3A_15 = tpu.memref_squeeze %dma_start3A_14 : memref<1x1024xi32, #tpu.memory_space<hbm>> -> memref<1024xi32, #tpu.memory_space<hbm>>
      tpu.enqueue_dma source(%dma_start3A_15 : memref<1024xi32, #tpu.memory_space<hbm>>) target(%arg10 : memref<1024xi32, #tpu.memory_space<vmem>>) target_semaphore(%arg21 : memref<!tpu.dma_semaphore, #tpu.memory_space<semaphore_mem>>)
      tpu.enqueue_dma source(%arg4 : memref<1024xf32, #tpu.memory_space<hbm>>) target(%arg16 : memref<1024xf32, #tpu.memory_space<vmem>>) target_semaphore(%arg21 : memref<!tpu.dma_semaphore, #tpu.memory_space<semaphore_mem>>)
      tpu.enqueue_dma source(%arg5 : memref<1024xf32, #tpu.memory_space<hbm>>) target(%arg17 : memref<1024xf32, #tpu.memory_space<vmem>>) target_semaphore(%arg21 : memref<!tpu.dma_semaphore, #tpu.memory_space<semaphore_mem>>)
      %dma_wait3A = arith.constant 0 : i32
      %dma_wait3A_16 = tpu.memref_slice %arg2[%add3A, %dma_wait3A] : memref<8x1024xf32, #tpu.memory_space<hbm>> -> memref<1x1024xf32, #tpu.memory_space<hbm>>
      %dma_wait3A_17 = tpu.memref_squeeze %dma_wait3A_16 : memref<1x1024xf32, #tpu.memory_space<hbm>> -> memref<1024xf32, #tpu.memory_space<hbm>>
      %dma_wait3A_18 = arith.constant 0 : i32
      %dma_wait3A_19 = tpu.memref_slice %arg2[%add3A, %dma_wait3A_18] : memref<8x1024xf32, #tpu.memory_space<hbm>> -> memref<1x1024xf32, #tpu.memory_space<hbm>>
      %dma_wait3A_20 = tpu.memref_squeeze %dma_wait3A_19 : memref<1x1024xf32, #tpu.memory_space<hbm>> -> memref<1024xf32, #tpu.memory_space<hbm>>
      tpu.wait_dma2 semaphore(%arg21 : memref<!tpu.dma_semaphore, #tpu.memory_space<semaphore_mem>>) src(%dma_wait3A_20 : memref<1024xf32, #tpu.memory_space<hbm>>) dst(%arg9 : memref<1024xf32, #tpu.memory_space<vmem>>)
      %dma_wait3A_21 = arith.constant 0 : i32
      %dma_wait3A_22 = tpu.memref_slice %arg3[%add3A, %dma_wait3A_21] : memref<8x1024xi32, #tpu.memory_space<hbm>> -> memref<1x1024xi32, #tpu.memory_space<hbm>>
      %dma_wait3A_23 = tpu.memref_squeeze %dma_wait3A_22 : memref<1x1024xi32, #tpu.memory_space<hbm>> -> memref<1024xi32, #tpu.memory_space<hbm>>
      %dma_wait3A_24 = arith.constant 0 : i32
      %dma_wait3A_25 = tpu.memref_slice %arg3[%add3A, %dma_wait3A_24] : memref<8x1024xi32, #tpu.memory_space<hbm>> -> memref<1x1024xi32, #tpu.memory_space<hbm>>
      %dma_wait3A_26 = tpu.memref_squeeze %dma_wait3A_25 : memref<1x1024xi32, #tpu.memory_space<hbm>> -> memref<1024xi32, #tpu.memory_space<hbm>>
      tpu.wait_dma2 semaphore(%arg21 : memref<!tpu.dma_semaphore, #tpu.memory_space<semaphore_mem>>) src(%dma_wait3A_26 : memref<1024xi32, #tpu.memory_space<hbm>>) dst(%arg10 : memref<1024xi32, #tpu.memory_space<vmem>>)
      tpu.wait_dma2 semaphore(%arg21 : memref<!tpu.dma_semaphore, #tpu.memory_space<semaphore_mem>>) src(%arg4 : memref<1024xf32, #tpu.memory_space<hbm>>) dst(%arg16 : memref<1024xf32, #tpu.memory_space<vmem>>)
      tpu.wait_dma2 semaphore(%arg21 : memref<!tpu.dma_semaphore, #tpu.memory_space<semaphore_mem>>) src(%arg5 : memref<1024xf32, #tpu.memory_space<hbm>>) dst(%arg17 : memref<1024xf32, #tpu.memory_space<vmem>>)
      %scan3A = arith.constant 0 : i32
      %scan3A_27 = arith.constant 0 : i32
      %scan3A_28 = arith.constant 64 : i32
      %scan3A_29 = arith.addi %scan3A_27, %scan3A_28 : i32
      %scan3A_30 = arith.constant 1 : i32
      %scan3A_31 = scf.for %scan3A_120 = %scan3A_27 to %scan3A_29 step %scan3A_30 iter_args(%scan3A_121 = %scan3A) -> (i32)  : i32 {
        %mul3A_122 = arith.constant 16 : i32
        %mul3A_123 = arith.muli %scan3A_120, %mul3A_122 : i32
        %get3A = arith.index_cast %mul3A_123 : i32 to index
        %get3A_124 = tpu.vector_load %arg10[%get3A] {strides = array<i32>} : memref<1024xi32, #tpu.memory_space<vmem>>, vector<16xi32>,
        %get3A_125 = arith.index_cast %mul3A_123 : i32 to index
        %get3A_126 = tpu.vector_load %arg9[%get3A_125] {strides = array<i32>} : memref<1024xf32, #tpu.memory_space<vmem>>, vector<16xf32>,
        tpu.vector_store_idx %arg11[%get3A_124], %get3A_126 : memref<1040xf32, #tpu.memory_space<vmem>>[vector<16xi32>], vector<16xf32>,
        %broadcast_in_dim3A_127 = arith.constant 0 : i32
        %broadcast_in_dim3A_128 = vector.broadcast %broadcast_in_dim3A_127 : i32 to vector<16xi32>
        %swap3A_129 = arith.index_cast %mul3A_123 : i32 to index
        %swap3A_130 = tpu.vector_load %arg14[%swap3A_129] {strides = array<i32>} : memref<1040xi32, #tpu.memory_space<vmem>>, vector<16xi32>,
        tpu.vector_store %arg14[%swap3A_129], %broadcast_in_dim3A_128 {strides = array<i32>} : memref<1040xi32, #tpu.memory_space<vmem>>, vector<16xi32>,
        %scan3A_131 = arith.constant 0 : i32
        scf.yield %scan3A_131 : i32
      }
      %scan3A_32 = arith.constant 64 : i32
      %broadcast_in_dim3A = arith.constant 0 : i32
      %broadcast_in_dim3A_33 = vector.broadcast %broadcast_in_dim3A : i32 to vector<16xi32>
      %swap3A = arith.constant 1024 : index
      %swap3A_34 = tpu.vector_load %arg14[%swap3A] {strides = array<i32>} : memref<1040xi32, #tpu.memory_space<vmem>>, vector<16xi32>,
      tpu.vector_store %arg14[%swap3A], %broadcast_in_dim3A_33 {strides = array<i32>} : memref<1040xi32, #tpu.memory_space<vmem>>, vector<16xi32>,
      %broadcast_in_dim3A_35 = arith.constant 0.000000e+00 : f32
      %broadcast_in_dim3A_36 = vector.broadcast %broadcast_in_dim3A_35 : f32 to vector<16xf32>
      %broadcast_in_dim3A_37 = arith.constant 0 : i32
      %broadcast_in_dim3A_38 = vector.broadcast %broadcast_in_dim3A_37 : i32 to vector<16xi32>
      %broadcast_in_dim3A_39 = arith.constant 0 : i32
      %broadcast_in_dim3A_40 = vector.broadcast %broadcast_in_dim3A_39 : i32 to vector<16xi32>
      %gather3A = tpu.vector_load_idx %arg11[%broadcast_in_dim3A_40] : memref<1040xf32, #tpu.memory_space<vmem>>[vector<16xi32>], vector<16xf32>,
      %scan3A_41 = arith.constant 0 : i32
      %scan3A_42 = arith.constant 0 : i32
      %scan3A_43 = arith.constant 1024 : i32
      %scan3A_44 = arith.addi %scan3A_42, %scan3A_43 : i32
      %scan3A_45 = arith.constant 1 : i32
      %scan3A_46:5 = scf.for %scan3A_120 = %scan3A_42 to %scan3A_44 step %scan3A_45 iter_args(%scan3A_121 = %scan3A_41, %scan3A_122 = %broadcast_in_dim3A_36, %scan3A_123 = %broadcast_in_dim3A_36, %scan3A_124 = %broadcast_in_dim3A_38, %scan3A_125 = %gather3A) -> (i32, vector<16xf32>, vector<16xf32>, vector<16xi32>, vector<16xf32>)  : i32 {
        %broadcast_in_dim3A_126 = vector.broadcast %scan3A_120 : i32 to vector<16xi32>
        %add3A_127 = arith.constant 1 : i32
        %add3A_128 = vector.broadcast %add3A_127 : i32 to vector<16xi32>
        %add3A_129 = arith.addi %broadcast_in_dim3A_126, %add3A_128 : vector<16xi32>
        %gather3A_130 = tpu.vector_load_idx %arg11[%add3A_129] : memref<1040xf32, #tpu.memory_space<vmem>>[vector<16xi32>], vector<16xf32>,
        %broadcast_in_dim3A_131 = arith.constant 1.000000e+00 : f32
        %broadcast_in_dim3A_132 = vector.broadcast %broadcast_in_dim3A_131 : f32 to vector<16xf32>
        %sub3A_133 = arith.subf %scan3A_125, %scan3A_122 : vector<16xf32>
        %exp3A = math.exp %sub3A_133 : vector<16xf32>
        %sub3A_134 = arith.constant 1 : i32
        %sub3A_135 = vector.broadcast %sub3A_134 : i32 to vector<16xi32>
        %sub3A_136 = arith.subi %broadcast_in_dim3A_126, %sub3A_135 : vector<16xi32>
        %convert_element_type3A_137 = arith.sitofp %scan3A_124 : vector<16xi32> to vector<16xf32>
        %convert_element_type3A_138 = arith.sitofp %sub3A_136 : vector<16xi32> to vector<16xf32>
        %sub3A_139 = arith.subf %convert_element_type3A_138, %convert_element_type3A_137 : vector<16xf32>
        %add3A_140 = arith.constant 1.000000e+00 : f32
        %add3A_141 = vector.broadcast %add3A_140 : f32 to vector<16xf32>
        %add3A_142 = arith.addf %sub3A_139, %add3A_141 : vector<16xf32>
        %sub3A_143 = arith.constant 2.048000e+03 : f32
        %sub3A_144 = vector.broadcast %sub3A_143 : f32 to vector<16xf32>
        %sub3A_145 = arith.subf %sub3A_144, %convert_element_type3A_137 : vector<16xf32>
        %sub3A_146 = arith.subf %sub3A_145, %convert_element_type3A_138 : vector<16xf32>
        %mul3A_147 = arith.mulf %add3A_142, %sub3A_146 : vector<16xf32>
        %mul3A_148 = arith.constant 5.000000e-01 : f32
        %mul3A_149 = vector.broadcast %mul3A_148 : f32 to vector<16xf32>
        %mul3A_150 = arith.mulf %mul3A_147, %mul3A_149 : vector<16xf32>
        %convert_element_type3A_151 = arith.sitofp %broadcast_in_dim3A_126 : vector<16xi32> to vector<16xf32>
        %convert_element_type3A_152 = arith.sitofp %broadcast_in_dim3A_126 : vector<16xi32> to vector<16xf32>
        %sub3A_153 = arith.subf %convert_element_type3A_152, %convert_element_type3A_151 : vector<16xf32>
        %add3A_154 = arith.constant 1.000000e+00 : f32
        %add3A_155 = vector.broadcast %add3A_154 : f32 to vector<16xf32>
        %add3A_156 = arith.addf %sub3A_153, %add3A_155 : vector<16xf32>
        %sub3A_157 = arith.constant 2.048000e+03 : f32
        %sub3A_158 = vector.broadcast %sub3A_157 : f32 to vector<16xf32>
        %sub3A_159 = arith.subf %sub3A_158, %convert_element_type3A_151 : vector<16xf32>
        %sub3A_160 = arith.subf %sub3A_159, %convert_element_type3A_152 : vector<16xf32>
        %mul3A_161 = arith.mulf %add3A_156, %sub3A_160 : vector<16xf32>
        %mul3A_162 = arith.constant 5.000000e-01 : f32
        %mul3A_163 = vector.broadcast %mul3A_162 : f32 to vector<16xf32>
        %mul3A_164 = arith.mulf %mul3A_161, %mul3A_163 : vector<16xf32>
        %mul3A_165 = arith.mulf %broadcast_in_dim3A_132, %exp3A : vector<16xf32>
        %mul3A_166 = arith.mulf %mul3A_165, %mul3A_150 : vector<16xf32>
        %mul3A_167 = arith.mulf %scan3A_123, %mul3A_164 : vector<16xf32>
        %sub3A_168 = arith.subf %mul3A_166, %mul3A_167 : vector<16xf32>
        %gt3A = arith.constant 0 : i32
        %gt3A_169 = arith.cmpi sgt, %scan3A_121, %gt3A : i32
        %slice3A = vector.extract_strided_slice %sub3A_168 {offsets = [0], sizes = [1], strides = [1]} : vector<16xf32> to vector<1xf32>
        %squeeze3A = vector.extract %slice3A[0] : f32 from vector<1xf32>
        %gt3A_170 = arith.constant 0.000000e+00 : f32
        %gt3A_171 = arith.cmpf ogt, %squeeze3A, %gt3A_170 : f32
        %and3A = arith.andi %gt3A_169, %gt3A_171 : i1
        %while3A:9 = scf.while (%while3A_182 = %and3A, %while3A_183 = %exp3A, %while3A_184 = %scan3A_121, %while3A_185 = %scan3A_122, %while3A_186 = %scan3A_123, %while3A_187 = %scan3A_124, %while3A_188 = %scan3A_125, %while3A_189 = %broadcast_in_dim3A_132, %while3A_190 = %broadcast_in_dim3A_126) : (i1, vector<16xf32>, i32, vector<16xf32>, vector<16xf32>, vector<16xi32>, vector<16xf32>, vector<16xf32>, vector<16xi32>) -> (i1, vector<16xf32>, i32, vector<16xf32>, vector<16xf32>, vector<16xi32>, vector<16xf32>, vector<16xf32>, vector<16xi32>) {
          scf.condition(%while3A_182) %while3A_182, %while3A_183, %while3A_184, %while3A_185, %while3A_186, %while3A_187, %while3A_188, %while3A_189, %while3A_190 : i1, vector<16xf32>, i32, vector<16xf32>, vector<16xf32>, vector<16xi32>, vector<16xf32>, vector<16xf32>, vector<16xi32>
        } do {
        ^bb0(%while3A_182: i1, %while3A_183: vector<16xf32>, %while3A_184: i32, %while3A_185: vector<16xf32>, %while3A_186: vector<16xf32>, %while3A_187: vector<16xi32>, %while3A_188: vector<16xf32>, %while3A_189: vector<16xf32>, %while3A_190: vector<16xi32>):
          %mul3A_191 = arith.mulf %while3A_183, %while3A_189 : vector<16xf32>
          %add3A_192 = arith.addf %while3A_186, %mul3A_191 : vector<16xf32>
          %sub3A_193 = arith.constant 2 : i32
          %sub3A_194 = arith.subi %while3A_184, %sub3A_193 : i32
          %max3A_195 = arith.constant 0 : i32
          %max3A_196 = arith.maxsi %sub3A_194, %max3A_195 : i32
          %broadcast_in_dim3A_197 = vector.broadcast %max3A_196 : i32 to vector<16xi32>
          %gather3A_198 = tpu.vector_load_idx %arg12[%broadcast_in_dim3A_197] : memref<1024xf32, #tpu.memory_space<vmem>>[vector<16xi32>], vector<16xf32>,
          %gather3A_199 = tpu.vector_load_idx %arg13[%broadcast_in_dim3A_197] : memref<1024xf32, #tpu.memory_space<vmem>>[vector<16xi32>], vector<16xf32>,
          %gather3A_200 = tpu.vector_load_idx %arg14[%broadcast_in_dim3A_197] : memref<1040xi32, #tpu.memory_space<vmem>>[vector<16xi32>], vector<16xi32>,
          %sub3A_201 = arith.constant 1 : i32
          %sub3A_202 = arith.subi %while3A_184, %sub3A_201 : i32
          %sub3A_203 = arith.subf %while3A_185, %gather3A_198 : vector<16xf32>
          %exp3A_204 = math.exp %sub3A_203 : vector<16xf32>
          %sub3A_205 = arith.constant 1 : i32
          %sub3A_206 = vector.broadcast %sub3A_205 : i32 to vector<16xi32>
          %sub3A_207 = arith.subi %while3A_187, %sub3A_206 : vector<16xi32>
          %convert_element_type3A_208 = arith.sitofp %gather3A_200 : vector<16xi32> to vector<16xf32>
          %convert_element_type3A_209 = arith.sitofp %sub3A_207 : vector<16xi32> to vector<16xf32>
          %sub3A_210 = arith.subf %convert_element_type3A_209, %convert_element_type3A_208 : vector<16xf32>
          %add3A_211 = arith.constant 1.000000e+00 : f32
          %add3A_212 = vector.broadcast %add3A_211 : f32 to vector<16xf32>
          %add3A_213 = arith.addf %sub3A_210, %add3A_212 : vector<16xf32>
          %sub3A_214 = arith.constant 2.048000e+03 : f32
          %sub3A_215 = vector.broadcast %sub3A_214 : f32 to vector<16xf32>
          %sub3A_216 = arith.subf %sub3A_215, %convert_element_type3A_208 : vector<16xf32>
          %sub3A_217 = arith.subf %sub3A_216, %convert_element_type3A_209 : vector<16xf32>
          %mul3A_218 = arith.mulf %add3A_213, %sub3A_217 : vector<16xf32>
          %mul3A_219 = arith.constant 5.000000e-01 : f32
          %mul3A_220 = vector.broadcast %mul3A_219 : f32 to vector<16xf32>
          %mul3A_221 = arith.mulf %mul3A_218, %mul3A_220 : vector<16xf32>
          %convert_element_type3A_222 = arith.sitofp %while3A_187 : vector<16xi32> to vector<16xf32>
          %convert_element_type3A_223 = arith.sitofp %broadcast_in_dim3A_126 : vector<16xi32> to vector<16xf32>
          %sub3A_224 = arith.subf %convert_element_type3A_223, %convert_element_type3A_222 : vector<16xf32>
          %add3A_225 = arith.constant 1.000000e+00 : f32
          %add3A_226 = vector.broadcast %add3A_225 : f32 to vector<16xf32>
          %add3A_227 = arith.addf %sub3A_224, %add3A_226 : vector<16xf32>
          %sub3A_228 = arith.constant 2.048000e+03 : f32
          %sub3A_229 = vector.broadcast %sub3A_228 : f32 to vector<16xf32>
          %sub3A_230 = arith.subf %sub3A_229, %convert_element_type3A_222 : vector<16xf32>
          %sub3A_231 = arith.subf %sub3A_230, %convert_element_type3A_223 : vector<16xf32>
          %mul3A_232 = arith.mulf %add3A_227, %sub3A_231 : vector<16xf32>
          %mul3A_233 = arith.constant 5.000000e-01 : f32
          %mul3A_234 = vector.broadcast %mul3A_233 : f32 to vector<16xf32>
          %mul3A_235 = arith.mulf %mul3A_232, %mul3A_234 : vector<16xf32>
          %mul3A_236 = arith.mulf %add3A_192, %exp3A_204 : vector<16xf32>
          %mul3A_237 = arith.mulf %mul3A_236, %mul3A_221 : vector<16xf32>
          %mul3A_238 = arith.mulf %gather3A_199, %mul3A_235 : vector<16xf32>
          %sub3A_239 = arith.subf %mul3A_237, %mul3A_238 : vector<16xf32>
          %gt3A_240 = arith.constant 0 : i32
          %gt3A_241 = arith.cmpi sgt, %sub3A_202, %gt3A_240 : i32
          %slice3A_242 = vector.extract_strided_slice %sub3A_239 {offsets = [0], sizes = [1], strides = [1]} : vector<16xf32> to vector<1xf32>
          %squeeze3A_243 = vector.extract %slice3A_242[0] : f32 from vector<1xf32>
          %gt3A_244 = arith.constant 0.000000e+00 : f32
          %gt3A_245 = arith.cmpf ogt, %squeeze3A_243, %gt3A_244 : f32
          %and3A_246 = arith.andi %gt3A_241, %gt3A_245 : i1
          scf.yield %and3A_246, %exp3A_204, %sub3A_202, %gather3A_198, %gather3A_199, %gather3A_200, %while3A_185, %add3A_192, %while3A_187 : i1, vector<16xf32>, i32, vector<16xf32>, vector<16xf32>, vector<16xi32>, vector<16xf32>, vector<16xf32>, vector<16xi32>
        }
        %gt3A_172 = arith.constant 0 : i32
        %gt3A_173 = arith.cmpi sgt, %while3A#2, %gt3A_172 : i32
        %broadcast_in_dim3A_174 = vector.broadcast %gt3A_173 : i1 to vector<16xi1>
        %and3A_175 = arith.andi %eq3A_1, %broadcast_in_dim3A_174 : vector<16xi1>
        %sub3A_176 = arith.constant 1 : i32
        %sub3A_177 = arith.subi %while3A#2, %sub3A_176 : i32
        %max3A = arith.constant 0 : i32
        %max3A_178 = arith.maxsi %sub3A_177, %max3A : i32
        %broadcast_in_dim3A_179 = vector.broadcast %max3A_178 : i32 to vector<16xi32>
        tpu.vector_store_idx %arg12[%broadcast_in_dim3A_179], %while3A#3 masked %and3A_175 : memref<1024xf32, #tpu.memory_space<vmem>>[vector<16xi32>], vector<16xf32>, vector<16xi1>
        tpu.vector_store_idx %arg13[%broadcast_in_dim3A_179], %while3A#4 masked %and3A_175 : memref<1024xf32, #tpu.memory_space<vmem>>[vector<16xi32>], vector<16xf32>, vector<16xi1>
        tpu.vector_store_idx %arg14[%broadcast_in_dim3A_179], %while3A#5 masked %and3A_175 : memref<1040xi32, #tpu.memory_space<vmem>>[vector<16xi32>], vector<16xi32>, vector<16xi1>
        %add3A_180 = arith.constant 1 : i32
        %add3A_181 = arith.addi %while3A#2, %add3A_180 : i32
        scf.yield %add3A_181, %while3A#6, %while3A#7, %while3A#8, %gather3A_130 : i32, vector<16xf32>, vector<16xf32>, vector<16xi32>, vector<16xf32>
      }
      %scan3A_47 = arith.constant 1024 : i32
      %sub3A = arith.constant 1 : i32
      %sub3A_48 = arith.subi %scan3A_46#0, %sub3A : i32
      %broadcast_in_dim3A_49 = vector.broadcast %sub3A_48 : i32 to vector<16xi32>
      tpu.vector_store_idx %arg12[%broadcast_in_dim3A_49], %scan3A_46#1 masked %eq3A_1 : memref<1024xf32, #tpu.memory_space<vmem>>[vector<16xi32>], vector<16xf32>, vector<16xi1>
      tpu.vector_store_idx %arg13[%broadcast_in_dim3A_49], %scan3A_46#2 masked %eq3A_1 : memref<1024xf32, #tpu.memory_space<vmem>>[vector<16xi32>], vector<16xf32>, vector<16xi1>
      tpu.vector_store_idx %arg14[%broadcast_in_dim3A_49], %scan3A_46#3 masked %eq3A_1 : memref<1040xi32, #tpu.memory_space<vmem>>[vector<16xi32>], vector<16xi32>, vector<16xi1>
      %broadcast_in_dim3A_50 = vector.broadcast %scan3A_46#0 : i32 to vector<16xi32>
      %broadcast_in_dim3A_51 = arith.constant 1024 : i32
      %broadcast_in_dim3A_52 = vector.broadcast %broadcast_in_dim3A_51 : i32 to vector<16xi32>
      tpu.vector_store_idx %arg14[%broadcast_in_dim3A_50], %broadcast_in_dim3A_52 masked %eq3A_1 : memref<1040xi32, #tpu.memory_space<vmem>>[vector<16xi32>], vector<16xi32>, vector<16xi1>
      %scan3A_53 = arith.constant 0 : i32
      %scan3A_54 = arith.constant 0 : i32
      %scan3A_55 = arith.constant 64 : i32
      %scan3A_56 = arith.addi %scan3A_54, %scan3A_55 : i32
      %scan3A_57 = arith.constant 1 : i32
      %scan3A_58 = scf.for %scan3A_120 = %scan3A_54 to %scan3A_56 step %scan3A_57 iter_args(%scan3A_121 = %scan3A_53) -> (i32)  : i32 {
        %broadcast_in_dim3A_122 = arith.constant 0 : i32
        %broadcast_in_dim3A_123 = vector.broadcast %broadcast_in_dim3A_122 : i32 to vector<16xi32>
        %mul3A_124 = arith.constant 16 : i32
        %mul3A_125 = arith.muli %scan3A_120, %mul3A_124 : i32
        %swap3A_126 = arith.index_cast %mul3A_125 : i32 to index
        %swap3A_127 = tpu.vector_load %arg15[%swap3A_126] {strides = array<i32>} : memref<1024xi32, #tpu.memory_space<vmem>>, vector<16xi32>,
        tpu.vector_store %arg15[%swap3A_126], %broadcast_in_dim3A_123 {strides = array<i32>} : memref<1024xi32, #tpu.memory_space<vmem>>, vector<16xi32>,
        %scan3A_128 = arith.constant 0 : i32
        scf.yield %scan3A_128 : i32
      }
      %scan3A_59 = arith.constant 64 : i32
      %broadcast_in_dim3A_60 = arith.constant 1 : i32
      %broadcast_in_dim3A_61 = vector.broadcast %broadcast_in_dim3A_60 : i32 to vector<16xi32>
      %scan3A_62 = arith.constant 0 : i32
      %scan3A_63 = arith.constant 0 : i32
      %scan3A_64 = arith.constant 64 : i32
      %scan3A_65 = arith.addi %scan3A_63, %scan3A_64 : i32
      %scan3A_66 = arith.constant 1 : i32
      %scan3A_67 = scf.for %scan3A_120 = %scan3A_63 to %scan3A_65 step %scan3A_66 iter_args(%scan3A_121 = %scan3A_62) -> (i32)  : i32 {
        %mul3A_122 = arith.constant 16 : i32
        %mul3A_123 = arith.muli %scan3A_120, %mul3A_122 : i32
        %add3A_124 = vector.broadcast %mul3A_123 : i32 to vector<16xi32>
        %add3A_125 = arith.addi %add3A_124, %iota3A : vector<16xi32>
        %mul3A_126 = arith.constant 16 : i32
        %mul3A_127 = arith.muli %scan3A_120, %mul3A_126 : i32
        %get3A = arith.index_cast %mul3A_127 : i32 to index
        %get3A_128 = tpu.vector_load %arg14[%get3A] {strides = array<i32>} : memref<1040xi32, #tpu.memory_space<vmem>>, vector<16xi32>,
        %lt3A_129 = vector.broadcast %scan3A_46#0 : i32 to vector<16xi32>
        %lt3A_130 = arith.cmpi slt, %add3A_125, %lt3A_129 : vector<16xi32>
        tpu.vector_store_idx %arg15[%get3A_128], %broadcast_in_dim3A_61 masked %lt3A_130 : memref<1024xi32, #tpu.memory_space<vmem>>[vector<16xi32>], vector<16xi32>, vector<16xi1>
        %scan3A_131 = arith.constant 0 : i32
        scf.yield %scan3A_131 : i32
      }
      %scan3A_68 = arith.constant 64 : i32
      %broadcast_in_dim3A_69 = arith.constant 0 : i32
      %broadcast_in_dim3A_70 = vector.broadcast %broadcast_in_dim3A_69 : i32 to vector<16xi32>
      %scan3A_71 = arith.constant 0 : i32
      %scan3A_72 = arith.constant 64 : i32
      %scan3A_73 = arith.addi %scan3A_71, %scan3A_72 : i32
      %scan3A_74 = arith.constant 1 : i32
      %scan3A_75 = scf.for %scan3A_120 = %scan3A_71 to %scan3A_73 step %scan3A_74 iter_args(%scan3A_121 = %broadcast_in_dim3A_70) -> (vector<16xi32>)  : i32 {
        %mul3A_122 = arith.constant 16 : i32
        %mul3A_123 = arith.muli %scan3A_120, %mul3A_122 : i32
        %get3A = arith.index_cast %mul3A_123 : i32 to index
        %get3A_124 = tpu.vector_load %arg15[%get3A] {strides = array<i32>} : memref<1024xi32, #tpu.memory_space<vmem>>, vector<16xi32>,
        %broadcast_in_dim3A_125 = arith.constant true
        %broadcast_in_dim3A_126 = vector.broadcast %broadcast_in_dim3A_125 : i1 to vector<16xi1>
        %masked_cumsum3A = tpu.scan <sum>, %get3A_124 masked %broadcast_in_dim3A_126 : vector<16xi32>, vector<16xi1> -> vector<16xi32>
        %add3A_127 = arith.addi %masked_cumsum3A, %scan3A_121 : vector<16xi32>
        %sub3A_128 = arith.constant 1 : i32
        %sub3A_129 = vector.broadcast %sub3A_128 : i32 to vector<16xi32>
        %sub3A_130 = arith.subi %add3A_127, %sub3A_129 : vector<16xi32>
        %mul3A_131 = arith.constant 16 : i32
        %mul3A_132 = arith.muli %scan3A_120, %mul3A_131 : i32
        %swap3A_133 = arith.index_cast %mul3A_132 : i32 to index
        %swap3A_134 = tpu.vector_load %arg15[%swap3A_133] {strides = array<i32>} : memref<1024xi32, #tpu.memory_space<vmem>>, vector<16xi32>,
        tpu.vector_store %arg15[%swap3A_133], %sub3A_130 {strides = array<i32>} : memref<1024xi32, #tpu.memory_space<vmem>>, vector<16xi32>,
        %reduce_max3A = arith.constant true
        %reduce_max3A_135 = vector.broadcast %reduce_max3A : i1 to vector<16xi1>
        %reduce_max3A_136 = arith.constant -2147483648 : i32
        %reduce_max3A_137 = vector.broadcast %reduce_max3A_136 : i32 to vector<16xi32>
        %reduce_max3A_138 = arith.xori %masked_cumsum3A, %reduce_max3A_137 : vector<16xi32>
        %reduce_max3A_139 = tpu.scan <max>, %reduce_max3A_138 masked %reduce_max3A_135 : vector<16xi32>, vector<16xi1> -> vector<16xi32>
        %reduce_max3A_140 = arith.xori %reduce_max3A_139, %reduce_max3A_137 : vector<16xi32>
        %reduce_max3A_141 = vector.extract %reduce_max3A_140[15] : i32 from vector<16xi32>
        %broadcast_in_dim3A_142 = vector.broadcast %reduce_max3A_141 : i32 to vector<16xi32>
        %add3A_143 = arith.addi %scan3A_121, %broadcast_in_dim3A_142 : vector<16xi32>
        scf.yield %add3A_143 : vector<16xi32>
      }
      %scan3A_76 = arith.constant 64 : i32
      %scan3A_77 = arith.constant 0 : i32
      %scan3A_78 = arith.constant 0 : i32
      %scan3A_79 = arith.constant 64 : i32
      %scan3A_80 = arith.addi %scan3A_78, %scan3A_79 : i32
      %scan3A_81 = arith.constant 1 : i32
      %scan3A_82 = scf.for %scan3A_120 = %scan3A_78 to %scan3A_80 step %scan3A_81 iter_args(%scan3A_121 = %scan3A_77) -> (i32)  : i32 {
        %mul3A_122 = arith.constant 16 : i32
        %mul3A_123 = arith.muli %scan3A_120, %mul3A_122 : i32
        %get3A = arith.index_cast %mul3A_123 : i32 to index
        %get3A_124 = tpu.vector_load %arg10[%get3A] {strides = array<i32>} : memref<1024xi32, #tpu.memory_space<vmem>>, vector<16xi32>,
        %gather3A_125 = tpu.vector_load_idx %arg15[%get3A_124] : memref<1024xi32, #tpu.memory_space<vmem>>[vector<16xi32>], vector<16xi32>,
        %gather3A_126 = tpu.vector_load_idx %arg14[%gather3A_125] : memref<1040xi32, #tpu.memory_space<vmem>>[vector<16xi32>], vector<16xi32>,
        %add3A_127 = arith.constant 1 : i32
        %add3A_128 = vector.broadcast %add3A_127 : i32 to vector<16xi32>
        %add3A_129 = arith.addi %gather3A_125, %add3A_128 : vector<16xi32>
        %gather3A_130 = tpu.vector_load_idx %arg14[%add3A_129] : memref<1040xi32, #tpu.memory_space<vmem>>[vector<16xi32>], vector<16xi32>,
        %gather3A_131 = tpu.vector_load_idx %arg12[%gather3A_125] : memref<1024xf32, #tpu.memory_space<vmem>>[vector<16xi32>], vector<16xf32>,
        %swap3A_132 = arith.index_cast %mul3A_123 : i32 to index
        %swap3A_133 = tpu.vector_load %arg18[%swap3A_132] {strides = array<i32>} : memref<1024xf32, #tpu.memory_space<vmem>>, vector<16xf32>,
        tpu.vector_store %arg18[%swap3A_132], %gather3A_131 {strides = array<i32>} : memref<1024xf32, #tpu.memory_space<vmem>>, vector<16xf32>,
        %gather3A_134 = tpu.vector_load_idx %arg13[%gather3A_125] : memref<1024xf32, #tpu.memory_space<vmem>>[vector<16xi32>], vector<16xf32>,
        %swap3A_135 = arith.index_cast %mul3A_123 : i32 to index
        %swap3A_136 = tpu.vector_load %arg19[%swap3A_135] {strides = array<i32>} : memref<1024xf32, #tpu.memory_space<vmem>>, vector<16xf32>,
        tpu.vector_store %arg19[%swap3A_135], %gather3A_134 {strides = array<i32>} : memref<1024xf32, #tpu.memory_space<vmem>>, vector<16xf32>,
        %sub3A_137 = arith.constant 1 : i32
        %sub3A_138 = vector.broadcast %sub3A_137 : i32 to vector<16xi32>
        %sub3A_139 = arith.subi %gather3A_130, %sub3A_138 : vector<16xi32>
        %gather3A_140 = tpu.vector_load_idx %arg16[%sub3A_139] : memref<1024xf32, #tpu.memory_space<vmem>>[vector<16xi32>], vector<16xf32>,
        %gather3A_141 = tpu.vector_load_idx %arg17[%gather3A_126] : memref<1024xf32, #tpu.memory_space<vmem>>[vector<16xi32>], vector<16xf32>,
        %sub3A_142 = arith.subf %gather3A_140, %gather3A_141 : vector<16xf32>
        %swap3A_143 = arith.index_cast %mul3A_123 : i32 to index
        %swap3A_144 = tpu.vector_load %arg20[%swap3A_143] {strides = array<i32>} : memref<1024xf32, #tpu.memory_space<vmem>>, vector<16xf32>,
        tpu.vector_store %arg20[%swap3A_143], %sub3A_142 {strides = array<i32>} : memref<1024xf32, #tpu.memory_space<vmem>>, vector<16xf32>,
        %scan3A_145 = arith.constant 0 : i32
        scf.yield %scan3A_145 : i32
      }
      %scan3A_83 = arith.constant 64 : i32
      %dma_start3A_84 = arith.constant 0 : i32
      %dma_start3A_85 = tpu.memref_slice %arg6[%add3A, %dma_start3A_84] : memref<8x1024xf32, #tpu.memory_space<hbm>> -> memref<1x1024xf32, #tpu.memory_space<hbm>>
      %dma_start3A_86 = tpu.memref_squeeze %dma_start3A_85 : memref<1x1024xf32, #tpu.memory_space<hbm>> -> memref<1024xf32, #tpu.memory_space<hbm>>
      %dma_start3A_87 = arith.constant 0 : i32
      %dma_start3A_88 = tpu.memref_slice %arg6[%add3A, %dma_start3A_87] : memref<8x1024xf32, #tpu.memory_space<hbm>> -> memref<1x1024xf32, #tpu.memory_space<hbm>>
      %dma_start3A_89 = tpu.memref_squeeze %dma_start3A_88 : memref<1x1024xf32, #tpu.memory_space<hbm>> -> memref<1024xf32, #tpu.memory_space<hbm>>
      tpu.enqueue_dma source(%arg18 : memref<1024xf32, #tpu.memory_space<vmem>>) target(%dma_start3A_89 : memref<1024xf32, #tpu.memory_space<hbm>>) target_semaphore(%arg21 : memref<!tpu.dma_semaphore, #tpu.memory_space<semaphore_mem>>)
      %dma_start3A_90 = arith.constant 0 : i32
      %dma_start3A_91 = tpu.memref_slice %arg7[%add3A, %dma_start3A_90] : memref<8x1024xf32, #tpu.memory_space<hbm>> -> memref<1x1024xf32, #tpu.memory_space<hbm>>
      %dma_start3A_92 = tpu.memref_squeeze %dma_start3A_91 : memref<1x1024xf32, #tpu.memory_space<hbm>> -> memref<1024xf32, #tpu.memory_space<hbm>>
      %dma_start3A_93 = arith.constant 0 : i32
      %dma_start3A_94 = tpu.memref_slice %arg7[%add3A, %dma_start3A_93] : memref<8x1024xf32, #tpu.memory_space<hbm>> -> memref<1x1024xf32, #tpu.memory_space<hbm>>
      %dma_start3A_95 = tpu.memref_squeeze %dma_start3A_94 : memref<1x1024xf32, #tpu.memory_space<hbm>> -> memref<1024xf32, #tpu.memory_space<hbm>>
      tpu.enqueue_dma source(%arg19 : memref<1024xf32, #tpu.memory_space<vmem>>) target(%dma_start3A_95 : memref<1024xf32, #tpu.memory_space<hbm>>) target_semaphore(%arg21 : memref<!tpu.dma_semaphore, #tpu.memory_space<semaphore_mem>>)
      %dma_start3A_96 = arith.constant 0 : i32
      %dma_start3A_97 = tpu.memref_slice %arg8[%add3A, %dma_start3A_96] : memref<8x1024xf32, #tpu.memory_space<hbm>> -> memref<1x1024xf32, #tpu.memory_space<hbm>>
      %dma_start3A_98 = tpu.memref_squeeze %dma_start3A_97 : memref<1x1024xf32, #tpu.memory_space<hbm>> -> memref<1024xf32, #tpu.memory_space<hbm>>
      %dma_start3A_99 = arith.constant 0 : i32
      %dma_start3A_100 = tpu.memref_slice %arg8[%add3A, %dma_start3A_99] : memref<8x1024xf32, #tpu.memory_space<hbm>> -> memref<1x1024xf32, #tpu.memory_space<hbm>>
      %dma_start3A_101 = tpu.memref_squeeze %dma_start3A_100 : memref<1x1024xf32, #tpu.memory_space<hbm>> -> memref<1024xf32, #tpu.memory_space<hbm>>
      tpu.enqueue_dma source(%arg20 : memref<1024xf32, #tpu.memory_space<vmem>>) target(%dma_start3A_101 : memref<1024xf32, #tpu.memory_space<hbm>>) target_semaphore(%arg21 : memref<!tpu.dma_semaphore, #tpu.memory_space<semaphore_mem>>)
      %dma_wait3A_102 = arith.constant 0 : i32
      %dma_wait3A_103 = tpu.memref_slice %arg6[%add3A, %dma_wait3A_102] : memref<8x1024xf32, #tpu.memory_space<hbm>> -> memref<1x1024xf32, #tpu.memory_space<hbm>>
      %dma_wait3A_104 = tpu.memref_squeeze %dma_wait3A_103 : memref<1x1024xf32, #tpu.memory_space<hbm>> -> memref<1024xf32, #tpu.memory_space<hbm>>
      %dma_wait3A_105 = arith.constant 0 : i32
      %dma_wait3A_106 = tpu.memref_slice %arg6[%add3A, %dma_wait3A_105] : memref<8x1024xf32, #tpu.memory_space<hbm>> -> memref<1x1024xf32, #tpu.memory_space<hbm>>
      %dma_wait3A_107 = tpu.memref_squeeze %dma_wait3A_106 : memref<1x1024xf32, #tpu.memory_space<hbm>> -> memref<1024xf32, #tpu.memory_space<hbm>>
      tpu.wait_dma2 semaphore(%arg21 : memref<!tpu.dma_semaphore, #tpu.memory_space<semaphore_mem>>) src(%arg18 : memref<1024xf32, #tpu.memory_space<vmem>>) dst(%dma_wait3A_107 : memref<1024xf32, #tpu.memory_space<hbm>>)
      %dma_wait3A_108 = arith.constant 0 : i32
      %dma_wait3A_109 = tpu.memref_slice %arg7[%add3A, %dma_wait3A_108] : memref<8x1024xf32, #tpu.memory_space<hbm>> -> memref<1x1024xf32, #tpu.memory_space<hbm>>
      %dma_wait3A_110 = tpu.memref_squeeze %dma_wait3A_109 : memref<1x1024xf32, #tpu.memory_space<hbm>> -> memref<1024xf32, #tpu.memory_space<hbm>>
      %dma_wait3A_111 = arith.constant 0 : i32
      %dma_wait3A_112 = tpu.memref_slice %arg7[%add3A, %dma_wait3A_111] : memref<8x1024xf32, #tpu.memory_space<hbm>> -> memref<1x1024xf32, #tpu.memory_space<hbm>>
      %dma_wait3A_113 = tpu.memref_squeeze %dma_wait3A_112 : memref<1x1024xf32, #tpu.memory_space<hbm>> -> memref<1024xf32, #tpu.memory_space<hbm>>
      tpu.wait_dma2 semaphore(%arg21 : memref<!tpu.dma_semaphore, #tpu.memory_space<semaphore_mem>>) src(%arg19 : memref<1024xf32, #tpu.memory_space<vmem>>) dst(%dma_wait3A_113 : memref<1024xf32, #tpu.memory_space<hbm>>)
      %dma_wait3A_114 = arith.constant 0 : i32
      %dma_wait3A_115 = tpu.memref_slice %arg8[%add3A, %dma_wait3A_114] : memref<8x1024xf32, #tpu.memory_space<hbm>> -> memref<1x1024xf32, #tpu.memory_space<hbm>>
      %dma_wait3A_116 = tpu.memref_squeeze %dma_wait3A_115 : memref<1x1024xf32, #tpu.memory_space<hbm>> -> memref<1024xf32, #tpu.memory_space<hbm>>
      %dma_wait3A_117 = arith.constant 0 : i32
      %dma_wait3A_118 = tpu.memref_slice %arg8[%add3A, %dma_wait3A_117] : memref<8x1024xf32, #tpu.memory_space<hbm>> -> memref<1x1024xf32, #tpu.memory_space<hbm>>
      %dma_wait3A_119 = tpu.memref_squeeze %dma_wait3A_118 : memref<1x1024xf32, #tpu.memory_space<hbm>> -> memref<1024xf32, #tpu.memory_space<hbm>>
      tpu.wait_dma2 semaphore(%arg21 : memref<!tpu.dma_semaphore, #tpu.memory_space<semaphore_mem>>) src(%arg20 : memref<1024xf32, #tpu.memory_space<vmem>>) dst(%dma_wait3A_119 : memref<1024xf32, #tpu.memory_space<hbm>>)
    } else {
    }
    return
  }
}

module attributes {stable_mosaic.version = 14 : i64} {
  func.func @_score_body(%arg0: i32, %arg1: memref<1x1024x192xf32, #tpu.memory_space<vmem>>, %arg2: memref<192x32xf32, #tpu.memory_space<vmem>>, %arg3: memref<1x32xf32, #tpu.memory_space<vmem>>, %arg4: memref<32x1xf32, #tpu.memory_space<vmem>>, %arg5: memref<1x1xf32, #tpu.memory_space<vmem>>, %arg6: memref<1x1024x1xf32, #tpu.memory_space<vmem>>) attributes {dimension_semantics = [#tpu.dimension_semantics<arbitrary>], iteration_bounds = array<i64: 8>, scalar_prefetch = 0 : i64, scratch_operands = 0 : i64, tpu.core_type = #tpu.core_type<tc>, window_params = [{transform_indices = @transform_0, window_bounds = array<i64: 1, 1024, 192>}, {pipeline_mode = #tpu.pipeline_mode<synchronous>, transform_indices = @transform_1, window_bounds = array<i64: 192, 32>}, {pipeline_mode = #tpu.pipeline_mode<synchronous>, transform_indices = @transform_2, window_bounds = array<i64: 1, 32>}, {pipeline_mode = #tpu.pipeline_mode<synchronous>, transform_indices = @transform_3, window_bounds = array<i64: 32, 1>}, {pipeline_mode = #tpu.pipeline_mode<synchronous>, transform_indices = @transform_4, window_bounds = array<i64: 1, 1>}, {transform_indices = @transform_5, window_bounds = array<i64: 1, 1024, 1>}]} {
    %get3A = arith.constant 0 : index
    %get3A_0 = arith.constant 0 : index
    %get3A_1 = arith.constant 0 : index
    %get3A_2 = vector.load %arg1[%get3A, %get3A_0, %get3A_1] : memref<1x1024x192xf32, #tpu.memory_space<vmem>>, vector<1x1024x192xf32>
    %get3A_3 = vector.shape_cast %get3A_2 : vector<1x1024x192xf32> to vector<1024x192xf32>
    %get3A_4 = arith.constant 0 : index
    %get3A_5 = arith.constant 0 : index
    %get3A_6 = vector.load %arg2[%get3A_4, %get3A_5] : memref<192x32xf32, #tpu.memory_space<vmem>>, vector<192x32xf32>
    %dot_general3A = arith.constant dense<0.000000e+00> : vector<1024x32xf32>
    %dot_general3A_7 = tpu.matmul %get3A_3, %get3A_6, %dot_general3A {dimension_numbers = #tpu.dot_dimension_numbers<[1], [0], [0], [1], [0, 0, 1, 1], [], []>, transpose_lhs_hint = false} : vector<1024x192xf32>, vector<192x32xf32>, vector<1024x32xf32> -> vector<1024x32xf32>
    %get3A_8 = arith.constant 0 : index
    %get3A_9 = arith.constant 0 : index
    %get3A_10 = vector.load %arg3[%get3A_8, %get3A_9] : memref<1x32xf32, #tpu.memory_space<vmem>>, vector<1x32xf32>
    %add3A = vector.broadcast %get3A_10 : vector<1x32xf32> to vector<1024x32xf32>
    %add3A_11 = arith.addf %dot_general3A_7, %add3A : vector<1024x32xf32>
    %max3A = arith.constant 0.000000e+00 : f32
    %max3A_12 = vector.broadcast %max3A : f32 to vector<1024x32xf32>
    %max3A_13 = arith.maximumf %add3A_11, %max3A_12 : vector<1024x32xf32>
    %get3A_14 = arith.constant 0 : index
    %get3A_15 = arith.constant 0 : index
    %get3A_16 = vector.load %arg4[%get3A_14, %get3A_15] : memref<32x1xf32, #tpu.memory_space<vmem>>, vector<32x1xf32>
    %dot_general3A_17 = arith.constant dense<0.000000e+00> : vector<1024x1xf32>
    %dot_general3A_18 = tpu.matmul %max3A_13, %get3A_16, %dot_general3A_17 {dimension_numbers = #tpu.dot_dimension_numbers<[1], [0], [0], [1], [0, 0, 1, 1], [], []>, transpose_lhs_hint = false} : vector<1024x32xf32>, vector<32x1xf32>, vector<1024x1xf32> -> vector<1024x1xf32>
    %get3A_19 = arith.constant 0 : index
    %get3A_20 = arith.constant 0 : index
    %get3A_21 = vector.load %arg5[%get3A_19, %get3A_20] : memref<1x1xf32, #tpu.memory_space<vmem>>, vector<1x1xf32>
    %get3A_22 = vector.extract %get3A_21[0, 0] : f32 from vector<1x1xf32>
    %add3A_23 = vector.broadcast %get3A_22 : f32 to vector<1024x1xf32>
    %add3A_24 = arith.addf %dot_general3A_18, %add3A_23 : vector<1024x1xf32>
    %reduce_min3A = vector.shape_cast %add3A_24 : vector<1024x1xf32> to vector<1x1024x1xf32>
    %reduce_min3A_25 = arith.constant dense<0x7F800000> : vector<1xf32>
    %reduce_min3A_26 = vector.multi_reduction <minimumf>, %reduce_min3A, %reduce_min3A_25 [1, 2] : vector<1x1024x1xf32> to vector<1xf32>
    %reduce_min3A_27 = vector.shape_cast %reduce_min3A_26 : vector<1xf32> to vector<1x1x1xf32>
    %reduce_min3A_28 = vector.extract %reduce_min3A_27[0, 0, 0] : f32 from vector<1x1x1xf32>
    %reduce_max3A = vector.shape_cast %add3A_24 : vector<1024x1xf32> to vector<1x1024x1xf32>
    %reduce_max3A_29 = arith.constant dense<0xFF800000> : vector<1xf32>
    %reduce_max3A_30 = vector.multi_reduction <maximumf>, %reduce_max3A, %reduce_max3A_29 [1, 2] : vector<1x1024x1xf32> to vector<1xf32>
    %reduce_max3A_31 = vector.shape_cast %reduce_max3A_30 : vector<1xf32> to vector<1x1x1xf32>
    %reduce_max3A_32 = vector.extract %reduce_max3A_31[0, 0, 0] : f32 from vector<1x1x1xf32>
    %sub3A = vector.broadcast %reduce_min3A_28 : f32 to vector<1024x1xf32>
    %sub3A_33 = arith.subf %add3A_24, %sub3A : vector<1024x1xf32>
    %sub3A_34 = arith.subf %reduce_max3A_32, %reduce_min3A_28 : f32
    %add3A_35 = arith.constant 1.000000e-01 : f32
    %add3A_36 = arith.addf %sub3A_34, %add3A_35 : f32
    %div3A = vector.broadcast %add3A_36 : f32 to vector<1024x1xf32>
    %div3A_37 = arith.divf %sub3A_33, %div3A : vector<1024x1xf32>
    %mul3A = arith.constant 1.000000e+02 : f32
    %mul3A_38 = vector.broadcast %mul3A : f32 to vector<1024x1xf32>
    %mul3A_39 = arith.mulf %div3A_37, %mul3A_38 : vector<1024x1xf32>
    %swap3A = arith.constant 0 : index
    %swap3A_40 = arith.constant 0 : index
    %swap3A_41 = arith.constant 0 : index
    %swap3A_42 = vector.load %arg6[%swap3A, %swap3A_40, %swap3A_41] : memref<1x1024x1xf32, #tpu.memory_space<vmem>>, vector<1x1024x1xf32>
    %swap3A_43 = vector.shape_cast %swap3A_42 : vector<1x1024x1xf32> to vector<1024x1xf32>
    %swap3A_44 = vector.shape_cast %mul3A_39 : vector<1024x1xf32> to vector<1x1024x1xf32>
    tpu.vector_store %arg6[%swap3A, %swap3A_40, %swap3A_41], %swap3A_44 {strides = array<i32>} : memref<1x1024x1xf32, #tpu.memory_space<vmem>>, vector<1x1024x1xf32>,
    return
  }
  func.func @transform_0(%arg0: i32) -> (i32, i32, i32) {
    %c0_i32 = arith.constant 0 : i32
    %c0_i32_0 = arith.constant 0 : i32
    %c0_i32_1 = arith.constant 0 : i32
    return %arg0, %c0_i32, %c0_i32_0 : i32, i32, i32
  }
  func.func @transform_1(%arg0: i32) -> (i32, i32) {
    %c0_i32 = arith.constant 0 : i32
    %c0_i32_0 = arith.constant 0 : i32
    %c0_i32_1 = arith.constant 0 : i32
    return %c0_i32, %c0_i32_0 : i32, i32
  }
  func.func @transform_2(%arg0: i32) -> (i32, i32) {
    %c0_i32 = arith.constant 0 : i32
    %c0_i32_0 = arith.constant 0 : i32
    %c0_i32_1 = arith.constant 0 : i32
    return %c0_i32, %c0_i32_0 : i32, i32
  }
  func.func @transform_3(%arg0: i32) -> (i32, i32) {
    %c0_i32 = arith.constant 0 : i32
    %c0_i32_0 = arith.constant 0 : i32
    %c0_i32_1 = arith.constant 0 : i32
    return %c0_i32, %c0_i32_0 : i32, i32
  }
  func.func @transform_4(%arg0: i32) -> (i32, i32) {
    %c0_i32 = arith.constant 0 : i32
    %c0_i32_0 = arith.constant 0 : i32
    %c0_i32_1 = arith.constant 0 : i32
    return %c0_i32, %c0_i32_0 : i32, i32
  }
  func.func @transform_5(%arg0: i32) -> (i32, i32, i32) {
    %c0_i32 = arith.constant 0 : i32
    %c0_i32_0 = arith.constant 0 : i32
    %c0_i32_1 = arith.constant 0 : i32
    return %arg0, %c0_i32, %c0_i32_0 : i32, i32, i32
  }
}

module attributes {stable_mosaic.version = 14 : i64} {
  func.func @_pos_body(%arg0: i32, %arg1: i32, %arg2: memref<1x1x1024xf32, #tpu.memory_space<vmem>>, %arg3: memref<1x1024x1xf32, #tpu.memory_space<vmem>>, %arg4: memref<1x1024x1xi32, #tpu.memory_space<vmem>>) attributes {dimension_semantics = [#tpu.dimension_semantics<arbitrary>, #tpu.dimension_semantics<arbitrary>], iteration_bounds = array<i64: 8, 1>, scalar_prefetch = 0 : i64, scratch_operands = 0 : i64, tpu.core_type = #tpu.core_type<tc>, window_params = [{transform_indices = @transform_0, window_bounds = array<i64: 1, 1, 1024>}, {transform_indices = @transform_1, window_bounds = array<i64: 1, 1024, 1>}, {transform_indices = @transform_2, window_bounds = array<i64: 1, 1024, 1>}]} {
    %get3A = arith.constant 0 : index
    %get3A_0 = arith.constant 0 : index
    %get3A_1 = arith.constant 0 : index
    %get3A_2 = vector.load %arg2[%get3A, %get3A_0, %get3A_1] : memref<1x1x1024xf32, #tpu.memory_space<vmem>>, vector<1x1x1024xf32>
    %get3A_3 = vector.shape_cast %get3A_2 : vector<1x1x1024xf32> to vector<1x1024xf32>
    %get3A_4 = arith.constant 0 : index
    %get3A_5 = arith.constant 0 : index
    %get3A_6 = arith.constant 0 : index
    %get3A_7 = vector.load %arg3[%get3A_4, %get3A_5, %get3A_6] : memref<1x1024x1xf32, #tpu.memory_space<vmem>>, vector<1x1024x1xf32>
    %get3A_8 = vector.shape_cast %get3A_7 : vector<1x1024x1xf32> to vector<1024x1xf32>
    %gt3A = vector.broadcast %get3A_3 : vector<1x1024xf32> to vector<1024x1024xf32>
    %gt3A_9 = vector.broadcast %get3A_8 : vector<1024x1xf32> to vector<1024x1024xf32>
    %gt3A_10 = arith.cmpf ogt, %gt3A, %gt3A_9 : vector<1024x1024xf32>
    %iota3A = tpu.iota {dimensions = array<i32: 0>} : vector<1024x1024xi32>
    %mul3A = arith.constant 1024 : i32
    %mul3A_11 = arith.muli %arg1, %mul3A : i32
    %add3A = vector.broadcast %mul3A_11 : i32 to vector<1024x1024xi32>
    %add3A_12 = arith.addi %iota3A, %add3A : vector<1024x1024xi32>
    %iota3A_13 = tpu.iota {dimensions = array<i32: 1>} : vector<1024x1024xi32>
    %eq3A = vector.broadcast %get3A_3 : vector<1x1024xf32> to vector<1024x1024xf32>
    %eq3A_14 = vector.broadcast %get3A_8 : vector<1024x1xf32> to vector<1024x1024xf32>
    %eq3A_15 = arith.cmpf oeq, %eq3A, %eq3A_14 : vector<1024x1024xf32>
    %lt3A = arith.cmpi slt, %iota3A_13, %add3A_12 : vector<1024x1024xi32>
    %and3A = arith.andi %eq3A_15, %lt3A : vector<1024x1024xi1>
    %or3A = arith.ori %gt3A_10, %and3A : vector<1024x1024xi1>
    %jit3A = arith.constant 1.000000e+00 : f32
    %jit3A_16 = arith.constant 0.000000e+00 : f32
    %broadcast_in_dim3A = vector.broadcast %jit3A : f32 to vector<1024x1024xf32>
    %broadcast_in_dim3A_17 = vector.broadcast %jit3A_16 : f32 to vector<1024x1024xf32>
    %select_n3A = arith.select %or3A, %broadcast_in_dim3A, %broadcast_in_dim3A_17 : vector<1024x1024xi1>, vector<1024x1024xf32>
    %broadcast_in_dim3A_18 = arith.constant 1.000000e+00 : f32
    %broadcast_in_dim3A_19 = vector.broadcast %broadcast_in_dim3A_18 : f32 to vector<1024x1xf32>
    %dot_general3A = arith.constant dense<0.000000e+00> : vector<1024x1xf32>
    %dot_general3A_20 = tpu.matmul %select_n3A, %broadcast_in_dim3A_19, %dot_general3A {dimension_numbers = #tpu.dot_dimension_numbers<[1], [0], [0], [1], [0, 0, 1, 1], [], []>, transpose_lhs_hint = false} : vector<1024x1024xf32>, vector<1024x1xf32>, vector<1024x1xf32> -> vector<1024x1xf32>
    %convert_element_type3A = arith.fptosi %dot_general3A_20 : vector<1024x1xf32> to vector<1024x1xi32>
    %swap3A = arith.constant 0 : index
    %swap3A_21 = arith.constant 0 : index
    %swap3A_22 = arith.constant 0 : index
    %swap3A_23 = vector.load %arg4[%swap3A, %swap3A_21, %swap3A_22] : memref<1x1024x1xi32, #tpu.memory_space<vmem>>, vector<1x1024x1xi32>
    %swap3A_24 = vector.shape_cast %swap3A_23 : vector<1x1024x1xi32> to vector<1024x1xi32>
    %swap3A_25 = vector.shape_cast %convert_element_type3A : vector<1024x1xi32> to vector<1x1024x1xi32>
    tpu.vector_store %arg4[%swap3A, %swap3A_21, %swap3A_22], %swap3A_25 {strides = array<i32>} : memref<1x1024x1xi32, #tpu.memory_space<vmem>>, vector<1x1024x1xi32>,
    return
  }
  func.func @transform_0(%arg0: i32, %arg1: i32) -> (i32, i32, i32) {
    %c0_i32 = arith.constant 0 : i32
    %c0_i32_0 = arith.constant 0 : i32
    %c0_i32_1 = arith.constant 0 : i32
    return %arg0, %c0_i32, %c0_i32_0 : i32, i32, i32
  }
  func.func @transform_1(%arg0: i32, %arg1: i32) -> (i32, i32, i32) {
    %c0_i32 = arith.constant 0 : i32
    %c0_i32_0 = arith.constant 0 : i32
    return %arg0, %arg1, %c0_i32 : i32, i32, i32
  }
  func.func @transform_2(%arg0: i32, %arg1: i32) -> (i32, i32, i32) {
    %c0_i32 = arith.constant 0 : i32
    %c0_i32_0 = arith.constant 0 : i32
    return %arg0, %arg1, %c0_i32 : i32, i32, i32
  }
}

module attributes {stable_mosaic.version = 14 : i64} {
  func.func @_final_body(%arg0: memref<8x1024xf32, #tpu.memory_space<vmem>>, %arg1: memref<8x1024xf32, #tpu.memory_space<vmem>>, %arg2: memref<8x1024xf32, #tpu.memory_space<vmem>>, %arg3: memref<8x1024xf32, #tpu.memory_space<vmem>>, %arg4: memref<8x1024xf32, #tpu.memory_space<vmem>>) attributes {dimension_semantics = [], scalar_prefetch = 0 : i64, scratch_operands = 0 : i64, tpu.core_type = #tpu.core_type<tc>} {
    %get3A = arith.constant 0 : index
    %get3A_0 = arith.constant 0 : index
    %get3A_1 = vector.load %arg0[%get3A, %get3A_0] : memref<8x1024xf32, #tpu.memory_space<vmem>>, vector<8x1024xf32>
    %get3A_2 = arith.constant 0 : index
    %get3A_3 = arith.constant 0 : index
    %get3A_4 = vector.load %arg1[%get3A_2, %get3A_3] : memref<8x1024xf32, #tpu.memory_space<vmem>>, vector<8x1024xf32>
    %get3A_5 = arith.constant 0 : index
    %get3A_6 = arith.constant 0 : index
    %get3A_7 = vector.load %arg2[%get3A_5, %get3A_6] : memref<8x1024xf32, #tpu.memory_space<vmem>>, vector<8x1024xf32>
    %max3A = arith.constant 9.99999935E-39 : f32
    %max3A_8 = vector.broadcast %max3A : f32 to vector<8x1024xf32>
    %max3A_9 = arith.maximumf %get3A_7, %max3A_8 : vector<8x1024xf32>
    %log3A = math.log %max3A_9 : vector<8x1024xf32>
    %add3A = arith.addf %get3A_4, %log3A : vector<8x1024xf32>
    %get3A_10 = arith.constant 0 : index
    %get3A_11 = arith.constant 0 : index
    %get3A_12 = vector.load %arg3[%get3A_10, %get3A_11] : memref<8x1024xf32, #tpu.memory_space<vmem>>, vector<8x1024xf32>
    %max3A_13 = arith.constant 9.99999971E-10 : f32
    %max3A_14 = vector.broadcast %max3A_13 : f32 to vector<8x1024xf32>
    %max3A_15 = arith.maximumf %get3A_12, %max3A_14 : vector<8x1024xf32>
    %log3A_16 = math.log %max3A_15 : vector<8x1024xf32>
    %sub3A = arith.subf %add3A, %log3A_16 : vector<8x1024xf32>
    %sub3A_17 = arith.subf %get3A_1, %sub3A : vector<8x1024xf32>
    %exp3A = math.exp %sub3A_17 : vector<8x1024xf32>
    %jit3A = arith.constant 1.280000e+02 : f32
    %rem3A = vector.broadcast %jit3A : f32 to vector<8x1024xf32>
    %rem3A_18 = arith.remf %exp3A, %rem3A : vector<8x1024xf32>
    %ne3A = arith.constant 0.000000e+00 : f32
    %ne3A_19 = vector.broadcast %ne3A : f32 to vector<8x1024xf32>
    %ne3A_20 = arith.cmpf one, %rem3A_18, %ne3A_19 : vector<8x1024xf32>
    %lt3A = arith.constant 0.000000e+00 : f32
    %lt3A_21 = vector.broadcast %lt3A : f32 to vector<8x1024xf32>
    %lt3A_22 = arith.cmpf olt, %rem3A_18, %lt3A_21 : vector<8x1024xf32>
    %lt3A_23 = arith.constant 0.000000e+00 : f32
    %lt3A_24 = arith.cmpf olt, %jit3A, %lt3A_23 : f32
    %ne3A_25 = vector.broadcast %lt3A_24 : i1 to vector<8x1024xi1>
    %ne3A_26 = vector.broadcast %ne3A_25 : vector<8x1024xi1> to vector<8x1024xi1>
    %ne3A_27 = arith.xori %lt3A_22, %ne3A_26 : vector<8x1024xi1>
    %and3A = arith.andi %ne3A_27, %ne3A_20 : vector<8x1024xi1>
    %add3A_28 = vector.broadcast %jit3A : f32 to vector<8x1024xf32>
    %add3A_29 = arith.addf %rem3A_18, %add3A_28 : vector<8x1024xf32>
    %select_n3A = arith.select %and3A, %add3A_29, %rem3A_18 : vector<8x1024xi1>, vector<8x1024xf32>
    %sub3A_30 = arith.subf %exp3A, %select_n3A : vector<8x1024xf32>
    %div3A = arith.constant 1.280000e+02 : f32
    %div3A_31 = vector.broadcast %div3A : f32 to vector<8x1024xf32>
    %div3A_32 = arith.divf %sub3A_30, %div3A_31 : vector<8x1024xf32>
    %add3A_33 = arith.constant 1.000000e+00 : f32
    %add3A_34 = vector.broadcast %add3A_33 : f32 to vector<8x1024xf32>
    %add3A_35 = arith.addf %div3A_32, %add3A_34 : vector<8x1024xf32>
    %swap3A = arith.constant 0 : index
    %swap3A_36 = arith.constant 0 : index
    %swap3A_37 = vector.load %arg4[%swap3A, %swap3A_36] : memref<8x1024xf32, #tpu.memory_space<vmem>>, vector<8x1024xf32>
    tpu.vector_store %arg4[%swap3A, %swap3A_36], %add3A_35 {strides = array<i32>} : memref<8x1024xf32, #tpu.memory_space<vmem>>, vector<8x1024xf32>,
    return
  }
}

</mosaic_0001>

<sc_bundles>
// kernel: kernel.6.cloned.1.call-start
scs
__scs_entry_jumppad:
0x0: {  	(pc) =	sbr.rel $0x88, $3  }
0x1: {  	(tag) =	ssettag $0x0;
	lr =	simm.s32 $0x1  }
0x2: {  	[smem:$0x3F9C] =	sst lr;
	_ =	strace $0xD0000000  }
0x3: {  	_ = 	snop  }
0x4: {  	_ = 	snop  }
0x5: {  	_ = 	snop  }
0x6: {  	_ = 	snop  }
0x7: {  	_ = 	snop  }
__scs_overlays_trampoline_lowered:
0x8: {  	[smem:$0x3FAB] =	sst s0  }
0x9: {  	[smem:$0x3FAC] =	sst s1  }
0xa: {  	[smem:$0x3FAD] =	sst s2  }
0xb: {  	[smem:$0x3FAE] =	sst s3  }
0xc: {  	[smem:$0x3FAF] =	sst s4  }
0xd: {  	[smem:$0x3FB0] =	sst s5  }
0xe: {  	[smem:$0x3FB1] =	sst s6  }
0xf: {  	[smem:$0x3FB2] =	sst s7  }
0x10: {  	[smem:$0x3FB3] =	sst s8  }
0x11: {  	[smem:$0x3FB4] =	sst s9;
	s0 =	simm.s32 @!p0 $0x0  }
0x12: {  	s1 =	sld [smem:$0x3F9A];
	s0 =	simm.s32 @p0 $0x1  }
0x13: {  	[smem:$0x3FB5] =	sst s0;
	s0 =	simm.s32 @!p1 $0x0  }
0x14: {  	s2 =	sld [smem:$0x3F99];
	s0 =	simm.s32 @p1 $0x1  }
0x15: {  	[smem:$0x3FB6] =	sst s0;
	s0 =	simm.s32 @!p2 $0x0  }
0x16: {  	s3 =	sld [smem:$0x3FDB];
	s0 =	simm.s32 @p2 $0x1  }
0x17: {  	s4 =	simm.s32 $0x1BF5;
	[smem:$0x3FB8] =	sst s0  }
0x18: {  	s0 =	sld [smem:$0x3F9B];
	_ =	swait.ge [sflag:s4], $0x0  }
0x19: {  	s7 =	sld [smem:$0x3F9C]  }
0x1a: {  	s8 =	sadd.s32 $0xFFFFE003, lr  }
0x1b: {  	s9 =	sadd.s32 $0xFFFFFEF7, lr;
	s5 =	simm.s32 $0xFFFFFFFF;
	p2 =	slt.u32 s8, $0xFFFFF086  }
0x1c: {  	p1 =	slt.u32 s9, $0xF7A;
	s5 =	simm.s32 @!p2 $0x0  }
0x1d: {  	s5 =	simm.s32 @p1 $0x1;
	p0 =	seq.s32 s7, s2  }
0x1e: {  	s7 =	smul.u32 @!p0 $0xF7A, s2;
	p2 =	seq.s32 @!p0 s5, $0x0  }
0x1f: {  	s9 =	smul.u32 $0xF7A, s1;
	s8 =	simm.s32 @!p0 $0x1BF5;
	p2 =	por !p2, p0  }
0x20: {  	[sflag:s8] =	ssyncset.s32 @!p0 $0xFFFFF086;
	s6 =	sadd.s32 @!p0 s3, s7;
	s7 =	simm.s32 @!p0 $0x108  }
0x21: {  	s3 =	sadd.s32 s3, s9;
	s6 =	sadd.s32 @!p0 $0x88, s6;
	s7 =	simm.s32 @p2 $0x1082  }
0x22: {  	[simem:s7], [sflag:s8] =	dma.local @!p0 [hbm:s6], $0xF7A  }
0x23: {  	s9 =	sor.u32 $0xD0000000, s2;
	s6 =	simm.s32 $0x108;
	_ =	swait.ge @!p0 [sflag:s8], $0x0  }
0x24: {  	s3 =	sadd.s32 $0x88, s3;
	s6 =	simm.s32 @!p1 $0x1082;
	[sflag:s4] =	ssyncset.s32 $0xFFFFF086  }
0x25: {  	[simem:s6], [sflag:s4] =	dma.local [hbm:s3], $0xF7A  }
0x26: {  	[smem:$0x3F9C] =	sst s1;
	(tag) =	ssettag s2;
	_ =	strace s9  }
0x27: {  	s1 =	sld [smem:$0x3FAC]  }
0x28: {  	s2 =	sld [smem:$0x3FAD]  }
0x29: {  	s4 =	sld [smem:$0x3FAF]  }
0x2a: {  	p0 =	seq.s32 s5, $0x0;
	s5 =	sld [smem:$0x3FB0]  }
0x2b: {  	s6 =	sld [smem:$0x3FB1]  }
0x2c: {  	s7 =	sld [smem:$0x3FB2]  }
0x2d: {  	s3 =	simm.s32 $0x108;
	s8 =	sld [smem:$0x3FB3]  }
0x2e: {  	s3 =	simm.s32 @!p0 $0x1082;
	s9 =	sld [smem:$0x3FB4]  }
0x2f: {  	lr =	sadd.s32 s0, s3;
	s0 =	sld [smem:$0x3FAB]  }
0x30: {  	s3 =	sld [smem:$0x3FAE]  }
0x31: {  	[smem:$0x3FB7] =	sst s10  }
0x32: {  	s10 =	sld [smem:$0x3FB5];
	_ =	sdelay $0x3  }
0x33: {  	p0 =	seq.s32 s10, $0x1;
	s10 =	sld [smem:$0x3FB7];
	_ =	sdelay $0x3  }
0x34: {  	[smem:$0x3FB7] =	sst s10  }
0x35: {  	s10 =	sld [smem:$0x3FB6];
	_ =	sdelay $0x3  }
0x36: {  	p1 =	seq.s32 s10, $0x1;
	s10 =	sld [smem:$0x3FB7];
	_ =	sdelay $0x3  }
0x37: {  	[smem:$0x3FB7] =	sst s10  }
0x38: {  	s10 =	sld [smem:$0x3FB8]  }
0x39: {  	_ = 	snop;
	(pc) =	sbr.ind lr, $3  }
0x3a: {  	_ = 	snop  }
0x3b: {  	_ = 	snop  }
0x3c: {  	p2 =	seq.s32 s10, $0x1;
	s10 =	sld [smem:$0x3FB7]  }
0x3d: {  	_ =	shalt  }
0x3e: {  	_ =	shalt  }
0x3f: {  	_ =	shalt  }
0x40: {  	_ =	shalt  }
0x41: {  	_ =	shalt  }
0x42: {  	_ =	shalt  }
0x43: {  	_ =	shalt  }
0x44: {  	_ =	shalt  }
0x45: {  	_ =	shalt  }
0x46: {  	_ =	shalt  }
0x47: {  	_ =	shalt  }
0x48: {  	_ =	shalt  }
0x49: {  	_ =	shalt  }
0x4a: {  	_ =	shalt  }
0x4b: {  	_ =	shalt  }
0x4c: {  	_ =	shalt  }
0x4d: {  	_ =	shalt  }
0x4e: {  	_ =	shalt  }
0x4f: {  	_ =	shalt  }
0x50: {  	_ =	shalt  }
0x51: {  	_ =	shalt  }
0x52: {  	_ =	shalt  }
0x53: {  	_ =	shalt  }
0x54: {  	_ =	shalt  }
0x55: {  	_ =	shalt  }
0x56: {  	_ =	shalt  }
0x57: {  	_ =	shalt  }
0x58: {  	_ =	shalt  }
0x59: {  	_ =	shalt  }
0x5a: {  	_ =	shalt  }
0x5b: {  	_ =	shalt  }
0x5c: {  	_ =	shalt  }
0x5d: {  	_ =	shalt  }
0x5e: {  	_ =	shalt  }
0x5f: {  	_ =	shalt  }
0x60: {  	_ =	shalt  }
0x61: {  	_ =	shalt  }
0x62: {  	_ =	shalt  }
0x63: {  	_ =	shalt  }
0x64: {  	_ =	shalt  }
0x65: {  	_ =	shalt  }
0x66: {  	_ =	shalt  }
0x67: {  	_ =	shalt  }
0x68: {  	_ =	shalt  }
0x69: {  	_ =	shalt  }
0x6a: {  	_ =	shalt  }
0x6b: {  	_ =	shalt  }
0x6c: {  	_ =	shalt  }
0x6d: {  	_ =	shalt  }
0x6e: {  	_ =	shalt  }
0x6f: {  	_ =	shalt  }
0x70: {  	_ =	shalt  }
0x71: {  	_ =	shalt  }
0x72: {  	_ =	shalt  }
0x73: {  	_ =	shalt  }
0x74: {  	_ =	shalt  }
0x75: {  	_ =	shalt  }
0x76: {  	_ =	shalt  }
0x77: {  	_ =	shalt  }
0x78: {  	_ =	shalt  }
0x79: {  	_ =	shalt  }
0x7a: {  	_ =	shalt  }
0x7b: {  	_ =	shalt  }
0x7c: {  	_ =	shalt  }
0x7d: {  	_ =	shalt  }
0x7e: {  	_ =	shalt  }
0x7f: {  	_ =	shalt  }
0x80: {  	_ =	shalt  }
0x81: {  	_ =	shalt  }
0x82: {  	_ =	shalt  }
0x83: {  	_ =	shalt  }
0x84: {  	_ =	shalt  }
0x85: {  	_ =	shalt  }
0x86: {  	_ =	shalt  }
0x87: {  	_ =	shalt  }
.Lfunc_end0:
.L_simem_size_0:
called_computation_lowered:
.L_overlay_start_0:
0x88: {  	s2 =	sld [smem:$0x3FD9]  }
0x89: {  	s3 =	sld [smem:$0x3FFE];
	_ =	sdelay $0x1  }
0x8a: {  	s1 =	srdreg.scid  }
0x8b: {  	s0 =	sand.u32 $0x1, s1  }
0x8c: {  	s17 =	sshll.u32 s0, $0xA;
	s2 =	sadd.s32 s3, s2  }
0x8d: {  	s2 =	sadd.s32 s2, s17  }
0x8e: {  	[smem:$0x3FC3] =	sst s2  }
0x8f: {  	_ = 	snop  }
0x90: {  	s2 =	sld [smem:$0x3FD0];
	(tm) =	ssettm $0x1  }
0x91: {  	s18 =	sld [smem:$0x3FFB];
	_ =	sdelay $0x3  }
0x92: {  	_ =	strace s18  }
0x93: {  	s3 =	sld [smem:$0x3FFC];
	_ =	sdelay $0x3  }
0x94: {  	_ =	strace s3  }
0x95: {  	s3 =	sld [smem:$0x3FFD];
	_ =	sdelay $0x3  }
0x96: {  	_ =	strace s3  }
0x97: {  	_ =	strace $0x8FFFFFFF  }
0x98: {  	s19 =	sld [smem:$0x3FDB];
	_ =	sdelay $0x1  }
0x99: {  	s4 =	simm.s32 $_scs_section_size  }
0x9a: {  	s5 =	simm.s32 $_size__tile_overlayer_lowered;
	s6 =	simm.s32 $_tile_overlayer_lowered  }
0x9b: {  	s22 =	simm.s32 $0x1BFF;
	s21 =	sshll.u32 s6, $0x1;
	s3 =	sadd.s32 s4, s19  }
0x9c: {  	s7 =	simm.s32 $0x0;
	s20 =	sshll.u32 s5, $0x1;
	s5 =	sadd.s32 s21, s3  }
0x9d: {  	[timem:s7], [sflag:s22] =	dma.local [hbm:s5], s20  }
0x9e: {  	_ =	swait.ge [sflag:s22], s20  }
0x9f: {  	s4 =	ssub.s32 $0x0, s20;
	[sflag:s22] =	ssyncset.done $0x0  }
0xa0: {  	[sflag:s22] =	ssyncadd.s32 s4;
	_ =	sdelay $0x1  }
0xa1: {  	s23 =	simm.s32 $0x1B8B  }
0xa2: {  	_ =	swait.ge [sflag:s23], $0x1  }
0xa3: {  	[sflag:s23] =	ssyncset.done $0x0  }
0xa4: {  	s25 =	simm.s32 $0x1B8E;
	s24 =	sld [smem:$0x3FFE];
	[sflag:s23] =	ssyncadd.s32 $0xFFFFFFFF  }
0xa5: {  	s26 =	simm.s32 $execute0_lowered;
	[smem:$0x3FD2] =	sst s25  }
0xa6: {  	s5 =	sshll.u32 s26, $0x1;
	_ =	strace $0x80000046;
	[dreg:$0x1] =	wrdreg $0xFFFFFFFF  }
0xa7: {  	s28 =	simm.s32 $_size_execute0_lowered;
	s3 =	sadd.s32 s3, s5;
	[dreg:$0x0] =	wrdreg $0x0  }
0xa8: {  	s5 =	sshll.u32 s28, $0x1;
	[dreg:$0x2] =	wrdreg s3  }
0xa9: {  	[dreg:$0x3] =	wrdreg s5  }
0xaa: {  	[dreg:$0x4] =	wrdreg $0xC0  }
0xab: {  	_ =	task [dreg:s7], $0x5FFFF  }
0xac: {  	[dreg:$0x1] =	wrdreg $0xFFFFFFFF  }
0xad: {  	[dreg:$0x0] =	wrdreg $0x60  }
0xae: {  	[dreg:$0x2] =	wrdreg s2  }
0xaf: {  	[dreg:$0x3] =	wrdreg s24  }
0xb0: {  	[dreg:$0x4] =	wrdreg $0x9  }
0xb1: {  	_ =	task.clear_ibuf [dreg:s7], $0x5FFFF;
	_ =	strace $0x90000046  }
0xb2: {  	s29 =	simm.s32 $0x9;
	_ =	strace $0x80000048  }
0xb3: {  	_ =	swait.ge [sflag:s29], $0x1  }
0xb4: {  	[sflag:s29] =	ssyncadd.s32 $0xFFFFFFFF  }
0xb5: {  	_ =	strace $0x90000048  }
0xb6: {  	_ =	sfence  }
0xb7: {  	s30 =	sld [smem:$0x0];
	_ =	sdelay $0x2  }
0xb8: {  	s31 =	sshll.u32 s1, $0xD;
	s1 =	sshrl.u32 s1, $0x2  }
0xb9: {  	s3 =	sand.u32 $0x4000, s31;
	s1 =	sadd.s32 s1, s30  }
0xba: {  	s0 =	sor.u32 s3, s0;
	s1 =	sshll.u32 s1, $0x11  }
0xbb: {  	s0 =	sor.u32 s1, s0  }
0xbc: {  	s0 =	sadd.s32 $0x8F2B, s0  }
0xbd: {  	[sflag:s0] =	ssyncadd.remote.s32 $0x1  }
0xbe: {  	_ =	sfence.sel $0xFFFF  }
0xbf: {  	[dreg:$0x0] =	wrdreg $0xFFFFFFFF;
	(pc) =	sbr.abs _section_cstart, $3  }
0xc0: {  	[dreg:$0x1] =	wrdreg $0xFFFFFFFF  }
0xc1: {  	_ =	task.clear_ibuf [dreg:s7], $0x2FFFF;
	_ =	strace $0x9FFFFFFF  }
0xc2: {  	(tm) =	ssettm $0x7FFFFFFF  }
0xc3: {  	_ =	shalt  }
tec
execute0_lowered:
.L_overlay_start_1:
0x0: {  	(tag) =	ssettag $0x1  }
0x1: {  	s0 =	stileid.u32  }
0x2: {  	p0 =	sgt.u32 s0, $0x3  }
.Ltmp0:
0x3: {  	_ = 	snop;
	(pc) =	sbr.rel @p0 .LBB2_19-.Ltmp0, $4  }
0x4: {  	_ = 	snop  }
0x5: {  	s9 =	rddreg [dreg:$0x0];
	s3 =	simm.s32 $0x0  }
0x6: {  	[smem:$0x7FF] =	sst s3  }
0x7: {  	s2 =	rddreg [dreg:$0x1];
	_ =	strace $0x80000047  }
0x8: {  	s4 =	srdreg.scid  }
0x9: {  	s0 =	stileid.u32;
	s8 =	sadd.s32 $0x200, s2;
	s13 =	simm.s32 $0x1D00  }
0xa: {  	s14 =	simm.s32 $0x2100;
	s15 =	simm.s32 $0x1;
	s16 =	simm.s32 $0x800  }
0xb: {  	s17 =	simm.s32 $0xC80;
	s18 =	simm.s32 $0x1080;
	s19 =	simm.s32 $0x1480  }
0xc: {  	s20 =	simm.s32 $0x1900;
	s21 =	simm.s32 $0x2500;
	s5 =	sand.u32 $0x1, s4  }
0xd: {  	s22 =	simm.s32 $0x2900;
	s6 =	sshll.u32 s0, $0x4;
	s4 =	sshll.u32 s5, $0x6  }
0xe: {  	s23 =	simm.s32 $0x2D00;
	s11 =	ssub.s32 $0x2, s5;
	s10 =	sadd.s32 s6, s4  }
0xf: {  	s4 =	sadd.s32 $0x600, s2;
	s12 =	sshrl.u32 s11, $0x1;
	s7 =	sadd.s32 s10, s2  }
0x10: {  	s11 =	ssub.s32 s11, s12;
	s8 =	sadd.s32 s8, s10;
	s9 =	sadd.s32 s9, s10  }
0x11: {  	v0 =	vimm.s32 $0x0;
	vm0 =	vmxor vm0, vm0;
	vm1 =	vmmov $0x1;
	s12 =	simm.s32 $0x400;
	s5 =	sadd.s32 $0x800, s7;
	s6 =	sadd.s32 $0xC00, s7  }
0x12: {  	v1 =	vimm.s32 $0x400;
	v2 =	vlaneseq.u32;
	v3 =	vimm.s32 $0x1;
	s7 =	sadd.s32 $0x1000, s7;
	s10 =	smax.u32 s11, $0x1;
	s11 =	simm.s32 $0x80  }
.LBB2_2:
0x13: {  	s24 =	simm.s32 $0x0  }
0x14: {  	[tilespmem:s24], [sflag:$0x1] =	stream.strided.gather [hbm4b:s9+s11], $0x400, s12, s11, $0x38;
	[tilespmem:$0x3100] =	vst v63  }
0x15: {  	_ = 	snop  }
0x16: {  	[tilespmem:s12], [sflag:$0x1] =	stream.strided.gather [hbm4b:s8+s11], $0x400, s12, s11, $0x38;
	[tilespmem:$0x3100] =	vst v63  }
0x17: {  	_ = 	snop  }
0x18: {  	[tilespmem:s13], [sflag:$0x1] =	stream.linear.gather [hbm4b:s2+s24], $0x400, $0x38;
	[tilespmem:$0x3100] =	vst v63  }
0x19: {  	_ = 	snop  }
0x1a: {  	[tilespmem:s14], [sflag:$0x1] =	stream.linear.gather [hbm4b:s4+s24], $0x400, $0x38;
	[tilespmem:$0x3100] =	vst v63  }
0x1b: {  	_ =	swait.ge [sflag:s15], $0x400  }
0x1c: {  	[sflag:s15] =	ssyncset.done $0x0  }
0x1d: {  	[sflag:s15] =	ssyncadd.s32 $0xFFFFFC00  }
0x1e: {  	_ =	swait.ge [sflag:s15], $0x400  }
0x1f: {  	[sflag:s15] =	ssyncset.done $0x0  }
0x20: {  	[sflag:s15] =	ssyncadd.s32 $0xFFFFFC00  }
0x21: {  	_ =	swait.ge [sflag:s15], $0x400  }
0x22: {  	[sflag:s15] =	ssyncset.done $0x0  }
0x23: {  	[sflag:s15] =	ssyncadd.s32 $0xFFFFFC00  }
0x24: {  	_ =	swait.ge [sflag:s15], $0x400  }
0x25: {  	[sflag:s15] =	ssyncset.done $0x0  }
0x26: {  	s24 =	simm.s32 $0x0;
	[sflag:s15] =	ssyncadd.s32 $0xFFFFFC00  }
0x27: {  	v4 =	vld [tilespmem:s24+$0x400];
	_ =	sdelay $0x2  }
0x28: {  	v5 =	vld [tilespmem:s24+$0x0];
	_ =	sdelay $0x4  }
0x29: {  	s26 =	simm.s32 $0x10;
	s25 =	simm.s32 $0x80;
	[tilespmem:v4+s16+$0x0] =	vst.idx.msk $0xffff, v5  }
.LBB2_3:
0x2a: {  	p0 =	sne.s32 s25, $0xFC0;
	v4 =	vld [tilespmem:s26+$0x400];
	[tilespmem:s24+$0x1480] =	vst v0;
	s24 =	smov.u32 s26;
	_ =	sdelay $0x2  }
0x2b: {  	v5 =	vld [tilespmem:s24+$0x0]  }
.Ltmp1:
0x2c: {  	(pc) =	sbr.rel @p0 .LBB2_3-.Ltmp1, $2  }
0x2d: {  	_ =	sdelay $0x2  }
0x2e: {  	s26 =	sshra.s32 s25, $0x2;
	s25 =	sadd.s32 $0x40, s25;
	[tilespmem:v4+s16+$0x0] =	vst.idx.msk $0xffff, v5  }
0x2f: {  	v4 =	vld [tilespmem:s26+$0x400];
	_ =	sdelay $0x1  }
0x30: {  	[tilespmem:s24+$0x1480] =	vst v0  }
0x31: {  	v5 =	vld [tilespmem:s26+$0x0];
	_ =	sdelay $0x3  }
.Ltmp2:
0x32: {  	_ = 	snop;
	(pc) =	sbr.rel .LBB2_5-.Ltmp2, $4  }
0x33: {  	[tilespmem:v4+s16+$0x0] =	vst.idx.msk $0xffff, v5  }
0x34: {  	v4 =	vimm.s32 $0x0;
	[tilespmem:s26+$0x1480] =	vst v0  }
0x35: {  	[tilespmem:$0x1880] =	vst v4  }
0x36: {  	v6 =	vimm.f32 $0.0e+00;
	s24 =	simm.s32 $0x0;
	v5 =	vimm.f32 $0.0e+00;
	s26 =	simm.s32 $0x0;
	v11 =	vld.msk [tilespmem:s16+$0x0], $0xffff  }
.LBB2_6:
0x37: {  	_ =	sdelay $0x2  }
0x38: {  	s26 =	smov.u32 @p0 s26;
	v8 =	vpsel p0, v5, v5;
	v9 =	vpsel p0, v6, v6;
	v13 =	vpsel p0, v4, v4  }
0x39: {  	v6 =	vpsel p0, $0x3F800000, v10;
	v4 =	vpsel p0, v12, v12;
	s25 =	smov.u32 s26;
	v5 =	vpsel p0, v11, v11  }
.LBB2_9:
0x3a: {  	s0 =	sadd.s32 $0xFFFFFFFF, s25  }
0x3b: {  	p0 =	sgt.s32 s0, $0x0  }
0x3c: {  	vm2 =	vmmov vm0;
	s0 =	simm.s32 @!p0 $0x0;
	p0 =	sgt.s32 s25, $0x0  }
0x3d: {  	vm2 =	vmneg @p0 vm2;
	v10 =	vmov s0  }
0x3e: {  	vm2 =	vmand vm2, vm1;
	v10 =	vbroadcast v10, $0x0;
	_ =	sdelay $0x1  }
0x3f: {  	s24 =	sadd.s32 $0x1, s24  }
0x40: {  	p0 =	sne.s32 s24, $0x400  }
.Ltmp3:
0x41: {  	_ = 	snop;
	(pc) =	sbr.rel @!p0 .LBB2_10-.Ltmp3, $4  }
0x42: {  	_ = 	snop  }
0x43: {  	[tilespmem:v10+s17+$0x0] =	vst.idx.msk vm2, v8  }
0x44: {  	[tilespmem:v10+s18+$0x0] =	vst.idx.msk vm2, v9  }
0x45: {  	s26 =	sadd.s32 $0x1, s25;
	v11 =	vmov v7;
	[tilespmem:v10+s19+$0x0] =	vst.idx.msk vm2, v13  }
.LBB2_5:
0x46: {  	_ =	sdelay $0x3  }
0x47: {  	v7 =	vsub.f32 v11, v5;
	_ =	sdelay $0x1  }
0x48: {  	v7 =	vmul.f32 $1.442695020e+00, v7;
	_ =	sdelay $0x1  }
0x49: {  	(erf) = vpow2.f32 v7;
	_ =	sdelay $0x4  }
0x4a: {  	v12 =	vmov s24  }
0x4b: {  	v7 =	vadd.s32 $0xFFFFFFFF, v12  }
0x4c: {  	v9 =	vcvt.s32.f32 v4;
	v7 =	vcvt.s32.f32 v7;
	_ =	sdelay $0x1  }
0x4d: {  	v10 =	vsub.f32 v7, v9;
	v8 =	vpop (erf)  }
0x4e: {  	(v2sf) =	vpush v8, $0x0  }
0x4f: {  	(v2sf) =	vpush v10, $0x0  }
0x50: {  	(v2sf) =	vpush v9, $0x0  }
0x51: {  	v9 =	vcvt.s32.f32 v12;
	(v2sf) =	vpush v7, $0x0  }
0x52: {  	(v2sf) =	vpush v6, $0x0  }
0x53: {  	(v2sf) =	vpush v9, $0x0;
	_ =	sdelay $0x9  }
0x54: {  	s28 =	spop (v2sf)  }
0x55: {  	s25 =	spop (v2sf)  }
0x56: {  	s29 =	spop (v2sf)  }
0x57: {  	s30 =	spop (v2sf);
	s29 =	ssub.f32 $2.048000000e+03, s29  }
0x58: {  	s0 =	sadd.f32 $1.000000000e+00, s25;
	s31 =	spop (v2sf)  }
0x59: {  	s29 =	ssub.f32 s29, s30;
	s25 =	spop (v2sf)  }
0x5a: {  	s1 =	ssub.f32 $2.048000000e+03, s25  }
0x5b: {  	s0 =	smul.f32 s29, s0  }
0x5c: {  	s30 =	ssub.f32 s1, s25  }
0x5d: {  	s0 =	smul.f32 $5.000000000e-01, s0  }
0x5e: {  	s29 =	smul.f32 $5.000000000e-01, s30  }
0x5f: {  	s0 =	smul.f32 s0, s28  }
0x60: {  	s28 =	smul.f32 s29, s31  }
0x61: {  	p0 =	slt.s32 s26, $0x1  }
0x62: {  	p1 =	sgt.f32 @!p0 s0, s28;
	_ =	sdelay $0x1  }
0x63: {  	v7 =	vadd.s32 $0x1, v12;
	p1 =	por p0, !p1  }
.Ltmp4:
0x64: {  	_ = 	snop;
	(pc) =	sbr.rel @p1 .LBB2_6-.Ltmp4, $2  }
0x65: {  	_ =	sdelay $0x2  }
0x66: {  	v10 =	vimm.f32 $1.000000000e+00;
	v7 =	vld.idx.msk [tilespmem:v7+s16+$0x0], $0xffff  }
.LBB2_7:
0x67: {  	s0 =	smax.u32 s26, $0x2  }
0x68: {  	s0 =	sadd.s32 $0xFFFFFFFE, s0  }
0x69: {  	v11 =	vmov s0  }
0x6a: {  	v11 =	vand.u32 $0x7FFFFFFF, v11  }
0x6b: {  	v13 =	vbroadcast v11, $0x0;
	_ =	sdelay $0x5  }
0x6c: {  	v11 =	vmov v5;
	v5 =	vld.idx.msk [tilespmem:v13+s17+$0x0], $0xffff;
	_ =	sdelay $0x4  }
0x6d: {  	v12 =	vsub.f32 v11, v5;
	_ =	sdelay $0x1  }
0x6e: {  	v12 =	vmul.f32 $1.442695020e+00, v12;
	_ =	sdelay $0x1  }
0x6f: {  	(erf) = vpow2.f32 v12;
	_ =	sdelay $0x3  }
0x70: {  	v12 =	vmov v4;
	v4 =	vld.idx.msk [tilespmem:v13+s19+$0x0], $0xffff  }
0x71: {  	v8 =	vmul.f32 v10, v8;
	_ =	sdelay $0x2  }
0x72: {  	v10 =	vadd.f32 v8, v6;
	v6 =	vadd.s32 $0xFFFFFFFF, v12  }
0x73: {  	v15 =	vcvt.s32.f32 v6;
	v14 =	vcvt.s32.f32 v4;
	v8 =	vpop (erf)  }
0x74: {  	v16 =	vmul.f32 v8, v10  }
0x75: {  	v6 =	vld.idx.msk [tilespmem:v13+s18+$0x0], $0xffff;
	v13 =	vsub.f32 v15, v14  }
0x76: {  	(v2sf) =	vpush v16, $0x0  }
0x77: {  	v63 =	vcvt.s32.f32 v12;
	(v2sf) =	vpush v13, $0x0  }
0x78: {  	(v2sf) =	vpush v14, $0x0  }
0x79: {  	v13 =	vsub.f32 v9, v63;
	(v2sf) =	vpush v15, $0x0  }
0x7a: {  	(v2sf) =	vpush v6, $0x0  }
0x7b: {  	(v2sf) =	vpush v13, $0x0  }
0x7c: {  	(v2sf) =	vpush v63, $0x0;
	_ =	sdelay $0x8  }
0x7d: {  	s0 =	spop (v2sf)  }
0x7e: {  	s28 =	spop (v2sf)  }
0x7f: {  	s29 =	spop (v2sf)  }
0x80: {  	s30 =	spop (v2sf)  }
0x81: {  	s29 =	ssub.f32 $2.048000000e+03, s29;
	s31 =	spop (v2sf)  }
0x82: {  	s28 =	sadd.f32 $1.000000000e+00, s28;
	s1 =	spop (v2sf)  }
0x83: {  	s29 =	ssub.f32 s29, s30;
	s30 =	spop (v2sf)  }
0x84: {  	s30 =	ssub.f32 $2.048000000e+03, s30  }
0x85: {  	s1 =	sadd.f32 $1.000000000e+00, s1  }
0x86: {  	s30 =	ssub.f32 s30, s25  }
0x87: {  	s28 =	smul.f32 s29, s28  }
0x88: {  	s1 =	smul.f32 s30, s1  }
0x89: {  	s28 =	smul.f32 $5.000000000e-01, s28  }
0x8a: {  	s1 =	smul.f32 $5.000000000e-01, s1  }
0x8b: {  	s0 =	smul.f32 s28, s0  }
0x8c: {  	s1 =	smul.f32 s31, s1  }
0x8d: {  	p0 =	slt.u32 s26, $0x2  }
0x8e: {  	p1 =	sgt.f32 @!p0 s0, s1;
	_ =	sdelay $0x1  }
0x8f: {  	p1 =	por p0, !p1  }
.Ltmp5:
0x90: {  	_ = 	snop;
	(pc) =	sbr.rel @!p1 .LBB2_7-.Ltmp5, $2  }
0x91: {  	_ =	sdelay $0x2  }
0x92: {  	s26 =	sadd.s32 $0xFFFFFFFF, s26  }
.Ltmp6:
0x93: {  	(pc) =	sbr.rel .LBB2_9-.Ltmp6, $3  }
0x94: {  	_ =	sdelay $0x1  }
0x95: {  	s26 =	smov.u32 @p0 s26;
	v8 =	vpsel p0, v5, v5;
	v9 =	vpsel p0, v6, v6;
	v13 =	vpsel p0, v4, v4  }
0x96: {  	v5 =	vpsel p0, v11, v11;
	v6 =	vpsel p0, v10, v10;
	v4 =	vpsel p0, v12, v12;
	s25 =	smov.u32 s26  }
.LBB2_10:
0x97: {  	v8 =	vmov s25;
	_ =	sdelay $0x2  }
0x98: {  	v7 =	vmov s26;
	_ =	sdelay $0x1  }
0x99: {  	[tilespmem:v8+s17+$0x0] =	vst.idx.msk $0x1, v5  }
0x9a: {  	[tilespmem:v8+s18+$0x0] =	vst.idx.msk $0x1, v6  }
0x9b: {  	[tilespmem:v8+s19+$0x0] =	vst.idx.msk $0x1, v4  }
0x9c: {  	s24 =	simm.s32 $0x0;
	s25 =	simm.s32 $0x0;
	[tilespmem:v7+s19+$0x0] =	vst.idx.msk $0x1, v1  }
.LBB2_11:
0x9d: {  	p0 =	sne.s32 s25, $0xFC0  }
.Ltmp7:
0x9e: {  	_ = 	snop;
	(pc) =	sbr.rel @p0 .LBB2_11-.Ltmp7, $3  }
0x9f: {  	_ =	sdelay $0x1  }
0xa0: {  	s0 =	sshra.s32 s25, $0x2  }
0xa1: {  	s25 =	sadd.s32 $0x40, s25;
	[tilespmem:s0+$0x1900] =	vst v0  }
0xa2: {  	s25 =	simm.s32 $0x1480  }
.LBB2_13:
0xa3: {  	v4 =	vld [tilespmem:s25+$0x0]  }
0xa4: {  	v5 =	vor.u32 s24, v2  }
0xa5: {  	vm2 =	vlt.s32 v5, v7  }
0xa6: {  	p0 =	sne.s32 s24, $0x3F0  }
.Ltmp8:
0xa7: {  	_ = 	snop;
	(pc) =	sbr.rel @p0 .LBB2_13-.Ltmp8, $2  }
0xa8: {  	_ =	sdelay $0x2  }
0xa9: {  	s25 =	sadd.s32 $0x10, s25;
	s24 =	sadd.s32 $0x10, s24;
	[tilespmem:v4+s20+$0x0] =	vst.idx.msk vm2, v3  }
0xaa: {  	s0 =	simm.s32 $0x0  }
0xab: {  	v4 =	vld [tilespmem:s0+$0x1900];
	_ =	sdelay $0x4  }
0xac: {  	(xrf0) =	vadd.scan.msk.s32 $0xffff, v4;
	_ =	sdelay $0x5  }
0xad: {  	v5, _, _ =	vpop (xrf0)  }
0xae: {  	v4 =	vxor.u32 $0x80000000, v5  }
0xaf: {  	(xrf0) =	vmax.scan.msk.u32 $0xffff, v4;
	_ =	sdelay $0x3  }
0xb0: {  	v4 =	vimm.s32 $0x0  }
0xb1: {  	v5 =	vadd.s32 v5, v4  }
0xb2: {  	v5 =	vadd.s32 $0xFFFFFFFF, v5;
	v6, _, _ =	vpop (xrf0)  }
0xb3: {  	s24 =	simm.s32 $0x10;
	s25 =	simm.s32 $0x80;
	[tilespmem:s0+$0x1900] =	vst v5;
	(v2sf) =	vpush v6, $0xF  }
.LBB2_15:
0xb4: {  	p0 =	sne.s32 s25, $0xFC0;
	v5 =	vld [tilespmem:s24+$0x1900];
	_ =	sdelay $0x4  }
0xb5: {  	(xrf0) =	vadd.scan.msk.s32 $0xffff, v5;
	_ =	sdelay $0x5  }
0xb6: {  	v5, _, _ =	vpop (xrf0)  }
0xb7: {  	v6 =	vxor.u32 $0x80000000, v5  }
0xb8: {  	(xrf0) =	vmax.scan.msk.u32 $0xffff, v6  }
0xb9: {  	s0 =	spop (v2sf)  }
0xba: {  	s0 =	sxor.u32 $0x80000000, s0  }
.Ltmp9:
0xbb: {  	v4 =	vadd.s32 s0, v4;
	(pc) =	sbr.rel @p0 .LBB2_15-.Ltmp9, $4  }
0xbc: {  	v7 =	vadd.s32 v5, v4  }
0xbd: {  	v6 =	vadd.s32 $0xFFFFFFFF, v7  }
0xbe: {  	[tilespmem:s24+$0x1900] =	vst v6;
	v5, _, _ =	vpop (xrf0)  }
0xbf: {  	s24 =	sshra.s32 s25, $0x2;
	s25 =	sadd.s32 $0x40, s25;
	(v2sf) =	vpush v5, $0xF  }
0xc0: {  	_ =	sdelay $0x4  }
0xc1: {  	v5 =	vld [tilespmem:s24+$0x1900];
	_ =	sdelay $0x4  }
0xc2: {  	(xrf0) =	vadd.scan.msk.s32 $0xffff, v5;
	_ =	sdelay $0x3  }
0xc3: {  	s0 =	spop (v2sf)  }
0xc4: {  	s0 =	sxor.u32 $0x80000000, s0  }
0xc5: {  	v5, _, _ =	vpop (xrf0);
	v4 =	vadd.s32 s0, v4  }
0xc6: {  	v4 =	vadd.s32 v5, v4  }
0xc7: {  	v4 =	vadd.s32 $0xFFFFFFFF, v4  }
0xc8: {  	[tilespmem:s24+$0x1900] =	vst v4;
	s24 =	simm.s32 $0x0  }
0xc9: {  	v4 =	vld [tilespmem:s24+$0x400];
	_ =	sdelay $0x7  }
0xca: {  	v4 =	vld.idx.msk [tilespmem:v4+s20+$0x0], $0xffff;
	_ =	sdelay $0x3  }
0xcb: {  	v5 =	vxor.u32 $0x80000000, v5  }
0xcc: {  	(xrf0) =	vmax.scan.msk.u32 $0xffff, v5;
	v5 =	vadd.s32 $0x1, v4;
	_ =	sdelay $0x2  }
0xcd: {  	v6 =	vld.idx.msk [tilespmem:v4+s17+$0x0], $0xffff;
	_ =	sdelay $0x1  }
0xce: {  	v5 =	vld.idx.msk [tilespmem:v5+s19+$0x0], $0xffff  }
0xcf: {  	v7, _, _ =	vpop (xrf0)  }
0xd0: {  	(v2sf) =	vpush v7, $0xF  }
0xd1: {  	v7 =	vld.idx.msk [tilespmem:v4+s19+$0x0], $0xffff;
	[tilespmem:s24+$0x2500] =	vst v6  }
0xd2: {  	v4 =	vld.idx.msk [tilespmem:v4+s18+$0x0], $0xffff  }
0xd3: {  	v5 =	vadd.s32 $0xFFFFFFFF, v5;
	_ =	sdelay $0x3  }
0xd4: {  	[tilespmem:s24+$0x2900] =	vst v4  }
0xd5: {  	v5 =	vld.idx.msk [tilespmem:v5+s13+$0x0], $0xffff  }
0xd6: {  	s26 =	simm.s32 $0x10;
	v6 =	vld.idx.msk [tilespmem:v7+s14+$0x0], $0xffff  }
0xd7: {  	v4 =	vld [tilespmem:s26+$0x400];
	_ =	sdelay $0x4  }
0xd8: {  	s25 =	simm.s32 $0x80;
	s31 =	spop (v2sf);
	v5 =	vsub.f32 v5, v6  }
.LBB2_17:
0xd9: {  	p0 =	sne.s32 s25, $0xFC0;
	s0 =	smov.u32 s25;
	s25 =	sadd.s32 $0x40, s25  }
0xda: {  	[tilespmem:s24+$0x2D00] =	vst v5;
	s24 =	smov.u32 s26  }
0xdb: {  	v4 =	vld.idx.msk [tilespmem:v4+s20+$0x0], $0xffff;
	_ =	sdelay $0x5  }
0xdc: {  	v5 =	vadd.s32 $0x1, v4;
	_ =	sdelay $0x1  }
0xdd: {  	v6 =	vld.idx.msk [tilespmem:v4+s17+$0x0], $0xffff;
	_ =	sdelay $0x2  }
0xde: {  	v5 =	vld.idx.msk [tilespmem:v5+s19+$0x0], $0xffff;
	_ =	sdelay $0x1  }
0xdf: {  	v7 =	vld.idx.msk [tilespmem:v4+s19+$0x0], $0xffff  }
0xe0: {  	[tilespmem:s24+$0x2500] =	vst v6  }
0xe1: {  	v4 =	vld.idx.msk [tilespmem:v4+s18+$0x0], $0xffff;
	_ =	sdelay $0x1  }
0xe2: {  	v5 =	vadd.s32 $0xFFFFFFFF, v5;
	_ =	sdelay $0x3  }
0xe3: {  	[tilespmem:s24+$0x2900] =	vst v4  }
0xe4: {  	v5 =	vld.idx.msk [tilespmem:v5+s13+$0x0], $0xffff  }
0xe5: {  	s26 =	sshra.s32 s0, $0x2;
	v6 =	vld.idx.msk [tilespmem:v7+s14+$0x0], $0xffff  }
0xe6: {  	v4 =	vld [tilespmem:s26+$0x400]  }
.Ltmp10:
0xe7: {  	(pc) =	sbr.rel @p0 .LBB2_17-.Ltmp10, $2  }
0xe8: {  	_ =	sdelay $0x2  }
0xe9: {  	v5 =	vsub.f32 v5, v6  }
0xea: {  	_ =	sdelay $0x2  }
0xeb: {  	[tilespmem:s24+$0x2D00] =	vst v5  }
0xec: {  	v4 =	vld.idx.msk [tilespmem:v4+s20+$0x0], $0xffff;
	_ =	sdelay $0x4  }
0xed: {  	v5 =	vadd.s32 $0x1, v4;
	_ =	sdelay $0x2  }
0xee: {  	v6 =	vld.idx.msk [tilespmem:v4+s17+$0x0], $0xffff;
	_ =	sdelay $0x1  }
0xef: {  	v5 =	vld.idx.msk [tilespmem:v5+s19+$0x0], $0xffff;
	_ =	sdelay $0x2  }
0xf0: {  	v7 =	vld.idx.msk [tilespmem:v4+s19+$0x0], $0xffff;
	[tilespmem:s26+$0x2500] =	vst v6  }
0xf1: {  	v4 =	vld.idx.msk [tilespmem:v4+s18+$0x0], $0xffff  }
0xf2: {  	v5 =	vadd.s32 $0xFFFFFFFF, v5;
	_ =	sdelay $0x3  }
0xf3: {  	[tilespmem:s26+$0x2900] =	vst v4  }
0xf4: {  	v4 =	vld.idx.msk [tilespmem:v5+s13+$0x0], $0xffff  }
0xf5: {  	v5 =	vld.idx.msk [tilespmem:v7+s14+$0x0], $0xffff;
	_ =	sdelay $0x4  }
0xf6: {  	v4 =	vsub.f32 v4, v5;
	_ =	sdelay $0x1  }
0xf7: {  	[tilespmem:s26+$0x2D00] =	vst v4  }
0xf8: {  	[hbm4b:s5+s11] =	stream.strided.scatter [tilespmem:s21], [sflag:$0x1], $0x400, s12, s11, $0x38;
	[tilespmem:$0x3100] =	vst v63  }
0xf9: {  	_ = 	snop  }
0xfa: {  	[hbm4b:s6+s11] =	stream.strided.scatter [tilespmem:s22], [sflag:$0x1], $0x400, s12, s11, $0x38;
	[tilespmem:$0x3100] =	vst v63  }
0xfb: {  	_ = 	snop  }
0xfc: {  	[hbm4b:s7+s11] =	stream.strided.scatter [tilespmem:s23], [sflag:$0x1], $0x400, s12, s11, $0x38;
	[tilespmem:$0x3100] =	vst v63  }
0xfd: {  	_ =	swait.ge [sflag:s15], $0x400  }
0xfe: {  	[sflag:s15] =	ssyncset.done $0x0  }
0xff: {  	s3 =	sadd.s32 $0x1, s3;
	[sflag:s15] =	ssyncadd.s32 $0xFFFFFC00  }
0x100: {  	p0 =	sne.s32 s3, s10;
	_ =	swait.ge [sflag:s15], $0x400  }
.Ltmp11:
0x101: {  	[sflag:s15] =	ssyncset.done $0x0;
	(pc) =	sbr.rel @p0 .LBB2_2-.Ltmp11, $4  }
0x102: {  	[sflag:s15] =	ssyncadd.s32 $0xFFFFFC00  }
0x103: {  	_ =	swait.ge [sflag:s15], $0x400  }
0x104: {  	[sflag:s15] =	ssyncset.done $0x0  }
0x105: {  	[sflag:s15] =	ssyncadd.s32 $0xFFFFFC00  }
.LBB2_19:
0x106: {  	_ =	sfence.sel $0x180000  }
0x107: {  	[bflag:$0x0] =	sbarrier.arrive $0xFFFF  }
0x108: {  	_ =	strace $0x90000047  }
0x109: {  	s0 =	stileid.u32;
	[bflag:$0x2] =	sbarrier.arrive $0xFFFF  }
0x10a: {  	p0 =	sne.s32 s0, $0x0;
	s0 =	rddreg [dreg:$0x2]  }
0x10b: {  	s0 =	sadd.s32 @!p0 $0x100000, s0  }
0x10c: {  	[sflag:s0] =	ssyncadd.tile.s32 @!p0 $0x1;
	_ =	shalt  }
.Lfunc_end2:
_tile_overlayer_lowered:
.L_overlay_start_2:
0x10d: {  	(tag) =	ssettag $0x2  }
0x10e: {  	s0 =	rddreg [dreg:$0x0];
	s2 =	stileid.u32  }
0x10f: {  	s1 =	rddreg [dreg:$0x1];
	p0 =	sne.s32 s2, $0x0  }
0x110: {  	s3 =	rddreg [dreg:$0x2];
	[bflag:$0x3] =	sbarrier.arrive $0xFFFF;
	s2 =	simm.s32 @!p0 $0x1C02  }
0x111: {  	[timem:s3], [sflag:s2] =	dma.local @!p0 [hbm:s0], s1  }
0x112: {  	s0 =	simm.s32 @!p0 $0x2  }
0x113: {  	_ =	swait.ge @!p0 [sflag:s0], s1  }
0x114: {  	s1 =	ssub.s32 @!p0 $0x0, s1;
	[sflag:s0] =	ssyncset.done @!p0 $0x0  }
0x115: {  	[sflag:s0] =	ssyncadd.s32 @!p0 s1  }
0x116: {  	[bflag:$0x3] =	sbarrier.arrive $0xFFFF  }
0x117: {  	_ =	shalt  }

</sc_bundles>
